<compile_context>
chip_gen: v7x
topology: tpu7x:2x2x1
jax: 0.10.2.dev20260603
libtpu: 0.0.44.dev20260713+nightly
codegen_flags: <defaults>
</compile_context>

<pallas_src>
import functools

import jax
import jax.numpy as jnp
from jax import lax
from jax.experimental import pallas as pl
from jax.experimental.pallas import tpu as pltpu
from jax.experimental.pallas import tpu_sc as plsc

HID = 2048
NE = 16
NT = 16384
TOPK = 2
TM = 1024

NC = 2
NS = 16
NW = NC * NS
TPW = NT // NW
LANES = 16
NG = TPW // LANES
WPM = TM // TPW


def _gate_body(x_ref, w_ref, b_ref, lgt_ref, wt_ref, it_ref, lgtc_ref):
    acct = lax.dot_general(
        w_ref[...], x_ref[...], (((1,), (1,)), ((), ())),
        preferred_element_type=jnp.float32)
    acct = acct + b_ref[...].reshape(NE, 1)
    lgt_ref[...] = acct
    for w in range(WPM):
        lgtc_ref[w] = acct[:, w * TPW:(w + 1) * TPW]
    e_col = lax.broadcasted_iota(jnp.int32, (NE, TM), 0)
    m1 = jnp.max(acct, axis=0, keepdims=True)
    i1 = jnp.min(jnp.where(acct == m1, e_col, NE), axis=0, keepdims=True)
    acct2 = jnp.where(e_col == i1, -jnp.inf, acct)
    m2 = jnp.max(acct2, axis=0, keepdims=True)
    i2 = jnp.min(jnp.where(acct2 == m2, e_col, NE), axis=0, keepdims=True)
    r = jnp.exp(m2 - m1)
    den = 1.0 + r
    wt_ref[...] = jnp.concatenate([1.0 / den, r / den], axis=0)
    it_ref[...] = jnp.concatenate([i1, i2], axis=0)


def _gate_topk(x, W, b2):
    return pl.pallas_call(
        _gate_body,
        grid=(NT // TM,),
        in_specs=[
            pl.BlockSpec((TM, HID), lambda i: (i, 0)),
            pl.BlockSpec((NE, HID), lambda i: (0, 0)),
            pl.BlockSpec((NE,), lambda i: (0,)),
        ],
        out_specs=[
            pl.BlockSpec((NE, TM), lambda i: (0, i)),
            pl.BlockSpec((TOPK, TM), lambda i: (0, i)),
            pl.BlockSpec((TOPK, TM), lambda i: (0, i)),
            pl.BlockSpec((WPM, NE, TPW), lambda i: (i, 0, 0)),
        ],
        out_shape=[
            jax.ShapeDtypeStruct((NE, NT), jnp.float32),
            jax.ShapeDtypeStruct((TOPK, NT), jnp.float32),
            jax.ShapeDtypeStruct((TOPK, NT), jnp.int32),
            jax.ShapeDtypeStruct((NW, NE, TPW), jnp.float32),
        ],
        compiler_params=pltpu.CompilerParams(
            dimension_semantics=("arbitrary",)),
    )(x, W, b2)


def _combine(av, ai, bv, bi):
    take = bv > av
    return jnp.where(take, bv, av), jnp.where(take, bi, ai)


def _tree_max(vals, idxs):
    while len(vals) > 1:
        nv, ni = [], []
        for j in range(0, len(vals), 2):
            v, i = _combine(vals[j], idxs[j], vals[j + 1], idxs[j + 1])
            nv.append(v)
            ni.append(i)
        vals, idxs = nv, ni
    return vals[0], idxs[0]


@functools.partial(
    pl.kernel,
    mesh=plsc.VectorSubcoreMesh(core_axis_name="c", subcore_axis_name="s"),
    out_type=jax.ShapeDtypeStruct((NE, TOPK, NT), jnp.int32),
    scratch_types=[
        pltpu.VMEM((NE, TPW), jnp.float32),
        pltpu.VMEM((NE, TOPK, TPW), jnp.int32),
    ],
    compiler_params=pltpu.CompilerParams(needs_layout_passes=False),
)
def _mask_route(lgt_hbm, m_hbm, lgt_v, m_v):
    c = lax.axis_index("c")
    s = lax.axis_index("s")
    wid = s * NC + c
    base = wid * TPW
    pltpu.sync_copy(lgt_hbm.at[wid], lgt_v)

    def group(g, carry):
        t0 = g * LANES
        vs = [lgt_v[e, pl.ds(t0, LANES)] for e in range(NE)]
        eidx = [jnp.full((LANES,), e, jnp.int32) for e in range(NE)]
        m1, i1 = _tree_max(list(vs), list(eidx))
        neg = jnp.full((LANES,), -jnp.inf, jnp.float32)
        vs2 = [jnp.where(i1 == e, neg, vs[e]) for e in range(NE)]
        m2, i2 = _tree_max(vs2, list(eidx))
        one = jnp.full((LANES,), 1, jnp.int32)
        zero = jnp.zeros((LANES,), jnp.int32)
        for e in range(NE):
            m_v[e, 0, pl.ds(t0, LANES)] = jnp.where(i1 == e, one, zero)
            m_v[e, 1, pl.ds(t0, LANES)] = jnp.where(i2 == e, one, zero)
        return carry

    lax.fori_loop(0, NG, group, 0)
    pltpu.sync_copy(m_v, m_hbm.at[:, :, pl.ds(base, TPW)])


def kernel(x, W, b):
    logits_t, weights_t, indices_t, logits_t_chunks = _gate_topk(
        x, W, b)
    mask = _mask_route(logits_t_chunks)
    return (logits_t.T, weights_t.T, indices_t.T, mask)

# --- scband reference (transcript-rebuilt; emitter-appended) ---
"""Pipeline reference for scband-mo-erouter-22411139350727 (READ-ONLY COPY).

The authoritative reference and input builder live on the scoring server;
editing this copy changes nothing except your own understanding.
"""

import jax, jax.numpy as jnp
import numpy as np

HIDDEN_DIM = 2048
EXPERT_NUMBER = 16
TOP_K = 2
N_TOKENS = 16384


def setup_inputs(seed: int = 0) -> dict:
    key = jax.random.key(seed)
    k1, k2 = jax.random.split(key, 2)
    x = jax.random.normal(k1, (N_TOKENS, HIDDEN_DIM), dtype=jnp.float32)
    # gate = nn.Linear(hidden_dim, expert_number): weight (E, H), bias (E,)
    W = jax.random.normal(k2, (EXPERT_NUMBER, HIDDEN_DIM), dtype=jnp.float32) * (1.0 / np.sqrt(HIDDEN_DIM))
    b = jnp.zeros((EXPERT_NUMBER,), dtype=jnp.float32)
    return {"x": x, "W": W, "b": b}


def reference(x, W, b):
    # router_logits = self.gate(x)
    router_logits = x @ W.T + b
    # router_probs = softmax(router_logits, dim=-1)
    router_probs = jax.nn.softmax(router_logits, axis=-1)
    # topk over experts
    router_weights, selected_experts_indices = jax.lax.top_k(router_probs, TOP_K)
    # renormalize
    router_weights = router_weights / jnp.sum(router_weights, axis=-1, keepdims=True)
    router_weights = router_weights.astype(x.dtype)
    # expert_mask = one_hot(idx, E).permute(2, 1, 0) -> (E, top_k, N)
    expert_mask = jax.nn.one_hot(selected_experts_indices, EXPERT_NUMBER, dtype=jnp.int32)
    expert_mask = jnp.transpose(expert_mask, (2, 1, 0))
    return (router_logits, router_weights, selected_experts_indices, expert_mask)

if __name__ == "__main__":
    import jax
    _d = setup_inputs()
    print(jax.jit(kernel)(*tuple(_d.values())))

</pallas_src>

<mosaic_0001>
#map = affine_map<(d0, d1) -> (0, 0, 0)>
module attributes {stable_mosaic.version = 14 : i64} {
  func.func @_mask_route(%arg0: i32, %arg1: i32, %arg2: memref<32x16x512xf32, #tpu.memory_space<hbm>>, %arg3: memref<16x2x16384xi32, #tpu.memory_space<hbm>>, %arg4: memref<16x512xf32, #tpu.memory_space<vmem>>, %arg5: memref<16x2x512xi32, #tpu.memory_space<vmem>>) attributes {dimension_semantics = [#tpu.dimension_semantics<core_parallel>, #tpu.dimension_semantics<subcore_parallel>], iteration_bounds = array<i64: 2, 16>, scalar_prefetch = 0 : i64, scratch_operands = 2 : i64, tpu.core_type = #tpu.core_type<sc_vector_subcore>, window_params = [{transform_indices = #map}, {transform_indices = #map}]} {
    %mul3A = arith.constant 2 : i32
    %mul3A_0 = arith.muli %arg1, %mul3A : i32
    %add3A = arith.addi %mul3A_0, %arg0 : i32
    %mul3A_1 = arith.constant 512 : i32
    %mul3A_2 = arith.muli %add3A, %mul3A_1 : i32
    "tpu.region"() ({
      %run_scoped3A = tpu.sem_alloc : memref<!tpu.dma_semaphore, #tpu.memory_space<semaphore_mem>>
      %dma_start3A = arith.constant 0 : i32
      %dma_start3A_8 = arith.constant 0 : i32
      %dma_start3A_9 = tpu.memref_slice %arg2[%add3A, %dma_start3A, %dma_start3A_8] : memref<32x16x512xf32, #tpu.memory_space<hbm>> -> memref<1x16x512xf32, #tpu.memory_space<hbm>>
      %dma_start3A_10 = tpu.memref_squeeze %dma_start3A_9 : memref<1x16x512xf32, #tpu.memory_space<hbm>> -> memref<16x512xf32, #tpu.memory_space<hbm>>
      %dma_start3A_11 = arith.constant 0 : i32
      %dma_start3A_12 = arith.constant 0 : i32
      %dma_start3A_13 = tpu.memref_slice %arg2[%add3A, %dma_start3A_11, %dma_start3A_12] : memref<32x16x512xf32, #tpu.memory_space<hbm>> -> memref<1x16x512xf32, #tpu.memory_space<hbm>>
      %dma_start3A_14 = tpu.memref_squeeze %dma_start3A_13 : memref<1x16x512xf32, #tpu.memory_space<hbm>> -> memref<16x512xf32, #tpu.memory_space<hbm>>
      tpu.enqueue_dma source(%dma_start3A_14 : memref<16x512xf32, #tpu.memory_space<hbm>>) target(%arg4 : memref<16x512xf32, #tpu.memory_space<vmem>>) target_semaphore(%run_scoped3A : memref<!tpu.dma_semaphore, #tpu.memory_space<semaphore_mem>>)
      %dma_wait3A = arith.constant 0 : i32
      %dma_wait3A_15 = arith.constant 0 : i32
      %dma_wait3A_16 = tpu.memref_slice %arg2[%add3A, %dma_wait3A, %dma_wait3A_15] : memref<32x16x512xf32, #tpu.memory_space<hbm>> -> memref<1x16x512xf32, #tpu.memory_space<hbm>>
      %dma_wait3A_17 = tpu.memref_squeeze %dma_wait3A_16 : memref<1x16x512xf32, #tpu.memory_space<hbm>> -> memref<16x512xf32, #tpu.memory_space<hbm>>
      %dma_wait3A_18 = arith.constant 0 : i32
      %dma_wait3A_19 = arith.constant 0 : i32
      %dma_wait3A_20 = tpu.memref_slice %arg2[%add3A, %dma_wait3A_18, %dma_wait3A_19] : memref<32x16x512xf32, #tpu.memory_space<hbm>> -> memref<1x16x512xf32, #tpu.memory_space<hbm>>
      %dma_wait3A_21 = tpu.memref_squeeze %dma_wait3A_20 : memref<1x16x512xf32, #tpu.memory_space<hbm>> -> memref<16x512xf32, #tpu.memory_space<hbm>>
      tpu.wait_dma2 semaphore(%run_scoped3A : memref<!tpu.dma_semaphore, #tpu.memory_space<semaphore_mem>>) src(%dma_wait3A_21 : memref<16x512xf32, #tpu.memory_space<hbm>>) dst(%arg4 : memref<16x512xf32, #tpu.memory_space<vmem>>)
      tpu.yield
    }) : () -> ()
    %scan3A = arith.constant 0 : i32
    %scan3A_3 = arith.constant 0 : i32
    %scan3A_4 = arith.constant 32 : i32
    %scan3A_5 = arith.addi %scan3A_3, %scan3A_4 : i32
    %scan3A_6 = arith.constant 1 : i32
    scf.for %scan3A_8 = %scan3A_3 to %scan3A_5 step %scan3A_6  : i32 {
      %mul3A_9 = arith.constant 16 : i32
      %mul3A_10 = arith.muli %scan3A_8, %mul3A_9 : i32
      %get3A = arith.constant 0 : i32
      %get3A_11 = arith.index_cast %get3A : i32 to index
      %get3A_12 = arith.index_cast %mul3A_10 : i32 to index
      %get3A_13 = tpu.vector_load %arg4[%get3A_11, %get3A_12] {strides = array<i32>} : memref<16x512xf32, #tpu.memory_space<vmem>>, vector<16xf32>,
      %get3A_14 = arith.constant 1 : i32
      %get3A_15 = arith.index_cast %get3A_14 : i32 to index
      %get3A_16 = arith.index_cast %mul3A_10 : i32 to index
      %get3A_17 = tpu.vector_load %arg4[%get3A_15, %get3A_16] {strides = array<i32>} : memref<16x512xf32, #tpu.memory_space<vmem>>, vector<16xf32>,
      %get3A_18 = arith.constant 2 : i32
      %get3A_19 = arith.index_cast %get3A_18 : i32 to index
      %get3A_20 = arith.index_cast %mul3A_10 : i32 to index
      %get3A_21 = tpu.vector_load %arg4[%get3A_19, %get3A_20] {strides = array<i32>} : memref<16x512xf32, #tpu.memory_space<vmem>>, vector<16xf32>,
      %get3A_22 = arith.constant 3 : i32
      %get3A_23 = arith.index_cast %get3A_22 : i32 to index
      %get3A_24 = arith.index_cast %mul3A_10 : i32 to index
      %get3A_25 = tpu.vector_load %arg4[%get3A_23, %get3A_24] {strides = array<i32>} : memref<16x512xf32, #tpu.memory_space<vmem>>, vector<16xf32>,
      %get3A_26 = arith.constant 4 : i32
      %get3A_27 = arith.index_cast %get3A_26 : i32 to index
      %get3A_28 = arith.index_cast %mul3A_10 : i32 to index
      %get3A_29 = tpu.vector_load %arg4[%get3A_27, %get3A_28] {strides = array<i32>} : memref<16x512xf32, #tpu.memory_space<vmem>>, vector<16xf32>,
      %get3A_30 = arith.constant 5 : i32
      %get3A_31 = arith.index_cast %get3A_30 : i32 to index
      %get3A_32 = arith.index_cast %mul3A_10 : i32 to index
      %get3A_33 = tpu.vector_load %arg4[%get3A_31, %get3A_32] {strides = array<i32>} : memref<16x512xf32, #tpu.memory_space<vmem>>, vector<16xf32>,
      %get3A_34 = arith.constant 6 : i32
      %get3A_35 = arith.index_cast %get3A_34 : i32 to index
      %get3A_36 = arith.index_cast %mul3A_10 : i32 to index
      %get3A_37 = tpu.vector_load %arg4[%get3A_35, %get3A_36] {strides = array<i32>} : memref<16x512xf32, #tpu.memory_space<vmem>>, vector<16xf32>,
      %get3A_38 = arith.constant 7 : i32
      %get3A_39 = arith.index_cast %get3A_38 : i32 to index
      %get3A_40 = arith.index_cast %mul3A_10 : i32 to index
      %get3A_41 = tpu.vector_load %arg4[%get3A_39, %get3A_40] {strides = array<i32>} : memref<16x512xf32, #tpu.memory_space<vmem>>, vector<16xf32>,
      %get3A_42 = arith.constant 8 : i32
      %get3A_43 = arith.index_cast %get3A_42 : i32 to index
      %get3A_44 = arith.index_cast %mul3A_10 : i32 to index
      %get3A_45 = tpu.vector_load %arg4[%get3A_43, %get3A_44] {strides = array<i32>} : memref<16x512xf32, #tpu.memory_space<vmem>>, vector<16xf32>,
      %get3A_46 = arith.constant 9 : i32
      %get3A_47 = arith.index_cast %get3A_46 : i32 to index
      %get3A_48 = arith.index_cast %mul3A_10 : i32 to index
      %get3A_49 = tpu.vector_load %arg4[%get3A_47, %get3A_48] {strides = array<i32>} : memref<16x512xf32, #tpu.memory_space<vmem>>, vector<16xf32>,
      %get3A_50 = arith.constant 10 : i32
      %get3A_51 = arith.index_cast %get3A_50 : i32 to index
      %get3A_52 = arith.index_cast %mul3A_10 : i32 to index
      %get3A_53 = tpu.vector_load %arg4[%get3A_51, %get3A_52] {strides = array<i32>} : memref<16x512xf32, #tpu.memory_space<vmem>>, vector<16xf32>,
      %get3A_54 = arith.constant 11 : i32
      %get3A_55 = arith.index_cast %get3A_54 : i32 to index
      %get3A_56 = arith.index_cast %mul3A_10 : i32 to index
      %get3A_57 = tpu.vector_load %arg4[%get3A_55, %get3A_56] {strides = array<i32>} : memref<16x512xf32, #tpu.memory_space<vmem>>, vector<16xf32>,
      %get3A_58 = arith.constant 12 : i32
      %get3A_59 = arith.index_cast %get3A_58 : i32 to index
      %get3A_60 = arith.index_cast %mul3A_10 : i32 to index
      %get3A_61 = tpu.vector_load %arg4[%get3A_59, %get3A_60] {strides = array<i32>} : memref<16x512xf32, #tpu.memory_space<vmem>>, vector<16xf32>,
      %get3A_62 = arith.constant 13 : i32
      %get3A_63 = arith.index_cast %get3A_62 : i32 to index
      %get3A_64 = arith.index_cast %mul3A_10 : i32 to index
      %get3A_65 = tpu.vector_load %arg4[%get3A_63, %get3A_64] {strides = array<i32>} : memref<16x512xf32, #tpu.memory_space<vmem>>, vector<16xf32>,
      %get3A_66 = arith.constant 14 : i32
      %get3A_67 = arith.index_cast %get3A_66 : i32 to index
      %get3A_68 = arith.index_cast %mul3A_10 : i32 to index
      %get3A_69 = tpu.vector_load %arg4[%get3A_67, %get3A_68] {strides = array<i32>} : memref<16x512xf32, #tpu.memory_space<vmem>>, vector<16xf32>,
      %get3A_70 = arith.constant 15 : i32
      %get3A_71 = arith.index_cast %get3A_70 : i32 to index
      %get3A_72 = arith.index_cast %mul3A_10 : i32 to index
      %get3A_73 = tpu.vector_load %arg4[%get3A_71, %get3A_72] {strides = array<i32>} : memref<16x512xf32, #tpu.memory_space<vmem>>, vector<16xf32>,
      %broadcast_in_dim3A = arith.constant 0 : i32
      %broadcast_in_dim3A_74 = vector.broadcast %broadcast_in_dim3A : i32 to vector<16xi32>
      %broadcast_in_dim3A_75 = arith.constant 1 : i32
      %broadcast_in_dim3A_76 = vector.broadcast %broadcast_in_dim3A_75 : i32 to vector<16xi32>
      %broadcast_in_dim3A_77 = arith.constant 2 : i32
      %broadcast_in_dim3A_78 = vector.broadcast %broadcast_in_dim3A_77 : i32 to vector<16xi32>
      %broadcast_in_dim3A_79 = arith.constant 3 : i32
      %broadcast_in_dim3A_80 = vector.broadcast %broadcast_in_dim3A_79 : i32 to vector<16xi32>
      %broadcast_in_dim3A_81 = arith.constant 4 : i32
      %broadcast_in_dim3A_82 = vector.broadcast %broadcast_in_dim3A_81 : i32 to vector<16xi32>
      %broadcast_in_dim3A_83 = arith.constant 5 : i32
      %broadcast_in_dim3A_84 = vector.broadcast %broadcast_in_dim3A_83 : i32 to vector<16xi32>
      %broadcast_in_dim3A_85 = arith.constant 6 : i32
      %broadcast_in_dim3A_86 = vector.broadcast %broadcast_in_dim3A_85 : i32 to vector<16xi32>
      %broadcast_in_dim3A_87 = arith.constant 7 : i32
      %broadcast_in_dim3A_88 = vector.broadcast %broadcast_in_dim3A_87 : i32 to vector<16xi32>
      %broadcast_in_dim3A_89 = arith.constant 8 : i32
      %broadcast_in_dim3A_90 = vector.broadcast %broadcast_in_dim3A_89 : i32 to vector<16xi32>
      %broadcast_in_dim3A_91 = arith.constant 9 : i32
      %broadcast_in_dim3A_92 = vector.broadcast %broadcast_in_dim3A_91 : i32 to vector<16xi32>
      %broadcast_in_dim3A_93 = arith.constant 10 : i32
      %broadcast_in_dim3A_94 = vector.broadcast %broadcast_in_dim3A_93 : i32 to vector<16xi32>
      %broadcast_in_dim3A_95 = arith.constant 11 : i32
      %broadcast_in_dim3A_96 = vector.broadcast %broadcast_in_dim3A_95 : i32 to vector<16xi32>
      %broadcast_in_dim3A_97 = arith.constant 12 : i32
      %broadcast_in_dim3A_98 = vector.broadcast %broadcast_in_dim3A_97 : i32 to vector<16xi32>
      %broadcast_in_dim3A_99 = arith.constant 13 : i32
      %broadcast_in_dim3A_100 = vector.broadcast %broadcast_in_dim3A_99 : i32 to vector<16xi32>
      %broadcast_in_dim3A_101 = arith.constant 14 : i32
      %broadcast_in_dim3A_102 = vector.broadcast %broadcast_in_dim3A_101 : i32 to vector<16xi32>
      %broadcast_in_dim3A_103 = arith.constant 15 : i32
      %broadcast_in_dim3A_104 = vector.broadcast %broadcast_in_dim3A_103 : i32 to vector<16xi32>
      %gt3A = arith.cmpf ogt, %get3A_17, %get3A_13 : vector<16xf32>
      %select_n3A = arith.select %gt3A, %get3A_17, %get3A_13 : vector<16xi1>, vector<16xf32>
      %select_n3A_105 = arith.select %gt3A, %broadcast_in_dim3A_76, %broadcast_in_dim3A_74 : vector<16xi1>, vector<16xi32>
      %gt3A_106 = arith.cmpf ogt, %get3A_25, %get3A_21 : vector<16xf32>
      %select_n3A_107 = arith.select %gt3A_106, %get3A_25, %get3A_21 : vector<16xi1>, vector<16xf32>
      %select_n3A_108 = arith.select %gt3A_106, %broadcast_in_dim3A_80, %broadcast_in_dim3A_78 : vector<16xi1>, vector<16xi32>
      %gt3A_109 = arith.cmpf ogt, %get3A_33, %get3A_29 : vector<16xf32>
      %select_n3A_110 = arith.select %gt3A_109, %get3A_33, %get3A_29 : vector<16xi1>, vector<16xf32>
      %select_n3A_111 = arith.select %gt3A_109, %broadcast_in_dim3A_84, %broadcast_in_dim3A_82 : vector<16xi1>, vector<16xi32>
      %gt3A_112 = arith.cmpf ogt, %get3A_41, %get3A_37 : vector<16xf32>
      %select_n3A_113 = arith.select %gt3A_112, %get3A_41, %get3A_37 : vector<16xi1>, vector<16xf32>
      %select_n3A_114 = arith.select %gt3A_112, %broadcast_in_dim3A_88, %broadcast_in_dim3A_86 : vector<16xi1>, vector<16xi32>
      %gt3A_115 = arith.cmpf ogt, %get3A_49, %get3A_45 : vector<16xf32>
      %select_n3A_116 = arith.select %gt3A_115, %get3A_49, %get3A_45 : vector<16xi1>, vector<16xf32>
      %select_n3A_117 = arith.select %gt3A_115, %broadcast_in_dim3A_92, %broadcast_in_dim3A_90 : vector<16xi1>, vector<16xi32>
      %gt3A_118 = arith.cmpf ogt, %get3A_57, %get3A_53 : vector<16xf32>
      %select_n3A_119 = arith.select %gt3A_118, %get3A_57, %get3A_53 : vector<16xi1>, vector<16xf32>
      %select_n3A_120 = arith.select %gt3A_118, %broadcast_in_dim3A_96, %broadcast_in_dim3A_94 : vector<16xi1>, vector<16xi32>
      %gt3A_121 = arith.cmpf ogt, %get3A_65, %get3A_61 : vector<16xf32>
      %select_n3A_122 = arith.select %gt3A_121, %get3A_65, %get3A_61 : vector<16xi1>, vector<16xf32>
      %select_n3A_123 = arith.select %gt3A_121, %broadcast_in_dim3A_100, %broadcast_in_dim3A_98 : vector<16xi1>, vector<16xi32>
      %gt3A_124 = arith.cmpf ogt, %get3A_73, %get3A_69 : vector<16xf32>
      %select_n3A_125 = arith.select %gt3A_124, %get3A_73, %get3A_69 : vector<16xi1>, vector<16xf32>
      %select_n3A_126 = arith.select %gt3A_124, %broadcast_in_dim3A_104, %broadcast_in_dim3A_102 : vector<16xi1>, vector<16xi32>
      %gt3A_127 = arith.cmpf ogt, %select_n3A_107, %select_n3A : vector<16xf32>
      %select_n3A_128 = arith.select %gt3A_127, %select_n3A_107, %select_n3A : vector<16xi1>, vector<16xf32>
      %select_n3A_129 = arith.select %gt3A_127, %select_n3A_108, %select_n3A_105 : vector<16xi1>, vector<16xi32>
      %gt3A_130 = arith.cmpf ogt, %select_n3A_113, %select_n3A_110 : vector<16xf32>
      %select_n3A_131 = arith.select %gt3A_130, %select_n3A_113, %select_n3A_110 : vector<16xi1>, vector<16xf32>
      %select_n3A_132 = arith.select %gt3A_130, %select_n3A_114, %select_n3A_111 : vector<16xi1>, vector<16xi32>
      %gt3A_133 = arith.cmpf ogt, %select_n3A_119, %select_n3A_116 : vector<16xf32>
      %select_n3A_134 = arith.select %gt3A_133, %select_n3A_119, %select_n3A_116 : vector<16xi1>, vector<16xf32>
      %select_n3A_135 = arith.select %gt3A_133, %select_n3A_120, %select_n3A_117 : vector<16xi1>, vector<16xi32>
      %gt3A_136 = arith.cmpf ogt, %select_n3A_125, %select_n3A_122 : vector<16xf32>
      %select_n3A_137 = arith.select %gt3A_136, %select_n3A_125, %select_n3A_122 : vector<16xi1>, vector<16xf32>
      %select_n3A_138 = arith.select %gt3A_136, %select_n3A_126, %select_n3A_123 : vector<16xi1>, vector<16xi32>
      %gt3A_139 = arith.cmpf ogt, %select_n3A_131, %select_n3A_128 : vector<16xf32>
      %select_n3A_140 = arith.select %gt3A_139, %select_n3A_131, %select_n3A_128 : vector<16xi1>, vector<16xf32>
      %select_n3A_141 = arith.select %gt3A_139, %select_n3A_132, %select_n3A_129 : vector<16xi1>, vector<16xi32>
      %gt3A_142 = arith.cmpf ogt, %select_n3A_137, %select_n3A_134 : vector<16xf32>
      %select_n3A_143 = arith.select %gt3A_142, %select_n3A_137, %select_n3A_134 : vector<16xi1>, vector<16xf32>
      %select_n3A_144 = arith.select %gt3A_142, %select_n3A_138, %select_n3A_135 : vector<16xi1>, vector<16xi32>
      %gt3A_145 = arith.cmpf ogt, %select_n3A_143, %select_n3A_140 : vector<16xf32>
      %select_n3A_146 = arith.select %gt3A_145, %select_n3A_143, %select_n3A_140 : vector<16xi1>, vector<16xf32>
      %select_n3A_147 = arith.select %gt3A_145, %select_n3A_144, %select_n3A_141 : vector<16xi1>, vector<16xi32>
      %broadcast_in_dim3A_148 = arith.constant 0xFF800000 : f32
      %broadcast_in_dim3A_149 = vector.broadcast %broadcast_in_dim3A_148 : f32 to vector<16xf32>
      %eq3A = arith.constant 0 : i32
      %eq3A_150 = vector.broadcast %eq3A : i32 to vector<16xi32>
      %eq3A_151 = arith.cmpi eq, %select_n3A_147, %eq3A_150 : vector<16xi32>
      %select_n3A_152 = arith.select %eq3A_151, %broadcast_in_dim3A_149, %get3A_13 : vector<16xi1>, vector<16xf32>
      %eq3A_153 = arith.constant 1 : i32
      %eq3A_154 = vector.broadcast %eq3A_153 : i32 to vector<16xi32>
      %eq3A_155 = arith.cmpi eq, %select_n3A_147, %eq3A_154 : vector<16xi32>
      %select_n3A_156 = arith.select %eq3A_155, %broadcast_in_dim3A_149, %get3A_17 : vector<16xi1>, vector<16xf32>
      %eq3A_157 = arith.constant 2 : i32
      %eq3A_158 = vector.broadcast %eq3A_157 : i32 to vector<16xi32>
      %eq3A_159 = arith.cmpi eq, %select_n3A_147, %eq3A_158 : vector<16xi32>
      %select_n3A_160 = arith.select %eq3A_159, %broadcast_in_dim3A_149, %get3A_21 : vector<16xi1>, vector<16xf32>
      %eq3A_161 = arith.constant 3 : i32
      %eq3A_162 = vector.broadcast %eq3A_161 : i32 to vector<16xi32>
      %eq3A_163 = arith.cmpi eq, %select_n3A_147, %eq3A_162 : vector<16xi32>
      %select_n3A_164 = arith.select %eq3A_163, %broadcast_in_dim3A_149, %get3A_25 : vector<16xi1>, vector<16xf32>
      %eq3A_165 = arith.constant 4 : i32
      %eq3A_166 = vector.broadcast %eq3A_165 : i32 to vector<16xi32>
      %eq3A_167 = arith.cmpi eq, %select_n3A_147, %eq3A_166 : vector<16xi32>
      %select_n3A_168 = arith.select %eq3A_167, %broadcast_in_dim3A_149, %get3A_29 : vector<16xi1>, vector<16xf32>
      %eq3A_169 = arith.constant 5 : i32
      %eq3A_170 = vector.broadcast %eq3A_169 : i32 to vector<16xi32>
      %eq3A_171 = arith.cmpi eq, %select_n3A_147, %eq3A_170 : vector<16xi32>
      %select_n3A_172 = arith.select %eq3A_171, %broadcast_in_dim3A_149, %get3A_33 : vector<16xi1>, vector<16xf32>
      %eq3A_173 = arith.constant 6 : i32
      %eq3A_174 = vector.broadcast %eq3A_173 : i32 to vector<16xi32>
      %eq3A_175 = arith.cmpi eq, %select_n3A_147, %eq3A_174 : vector<16xi32>
      %select_n3A_176 = arith.select %eq3A_175, %broadcast_in_dim3A_149, %get3A_37 : vector<16xi1>, vector<16xf32>
      %eq3A_177 = arith.constant 7 : i32
      %eq3A_178 = vector.broadcast %eq3A_177 : i32 to vector<16xi32>
      %eq3A_179 = arith.cmpi eq, %select_n3A_147, %eq3A_178 : vector<16xi32>
      %select_n3A_180 = arith.select %eq3A_179, %broadcast_in_dim3A_149, %get3A_41 : vector<16xi1>, vector<16xf32>
      %eq3A_181 = arith.constant 8 : i32
      %eq3A_182 = vector.broadcast %eq3A_181 : i32 to vector<16xi32>
      %eq3A_183 = arith.cmpi eq, %select_n3A_147, %eq3A_182 : vector<16xi32>
      %select_n3A_184 = arith.select %eq3A_183, %broadcast_in_dim3A_149, %get3A_45 : vector<16xi1>, vector<16xf32>
      %eq3A_185 = arith.constant 9 : i32
      %eq3A_186 = vector.broadcast %eq3A_185 : i32 to vector<16xi32>
      %eq3A_187 = arith.cmpi eq, %select_n3A_147, %eq3A_186 : vector<16xi32>
      %select_n3A_188 = arith.select %eq3A_187, %broadcast_in_dim3A_149, %get3A_49 : vector<16xi1>, vector<16xf32>
      %eq3A_189 = arith.constant 10 : i32
      %eq3A_190 = vector.broadcast %eq3A_189 : i32 to vector<16xi32>
      %eq3A_191 = arith.cmpi eq, %select_n3A_147, %eq3A_190 : vector<16xi32>
      %select_n3A_192 = arith.select %eq3A_191, %broadcast_in_dim3A_149, %get3A_53 : vector<16xi1>, vector<16xf32>
      %eq3A_193 = arith.constant 11 : i32
      %eq3A_194 = vector.broadcast %eq3A_193 : i32 to vector<16xi32>
      %eq3A_195 = arith.cmpi eq, %select_n3A_147, %eq3A_194 : vector<16xi32>
      %select_n3A_196 = arith.select %eq3A_195, %broadcast_in_dim3A_149, %get3A_57 : vector<16xi1>, vector<16xf32>
      %eq3A_197 = arith.constant 12 : i32
      %eq3A_198 = vector.broadcast %eq3A_197 : i32 to vector<16xi32>
      %eq3A_199 = arith.cmpi eq, %select_n3A_147, %eq3A_198 : vector<16xi32>
      %select_n3A_200 = arith.select %eq3A_199, %broadcast_in_dim3A_149, %get3A_61 : vector<16xi1>, vector<16xf32>
      %eq3A_201 = arith.constant 13 : i32
      %eq3A_202 = vector.broadcast %eq3A_201 : i32 to vector<16xi32>
      %eq3A_203 = arith.cmpi eq, %select_n3A_147, %eq3A_202 : vector<16xi32>
      %select_n3A_204 = arith.select %eq3A_203, %broadcast_in_dim3A_149, %get3A_65 : vector<16xi1>, vector<16xf32>
      %eq3A_205 = arith.constant 14 : i32
      %eq3A_206 = vector.broadcast %eq3A_205 : i32 to vector<16xi32>
      %eq3A_207 = arith.cmpi eq, %select_n3A_147, %eq3A_206 : vector<16xi32>
      %select_n3A_208 = arith.select %eq3A_207, %broadcast_in_dim3A_149, %get3A_69 : vector<16xi1>, vector<16xf32>
      %eq3A_209 = arith.constant 15 : i32
      %eq3A_210 = vector.broadcast %eq3A_209 : i32 to vector<16xi32>
      %eq3A_211 = arith.cmpi eq, %select_n3A_147, %eq3A_210 : vector<16xi32>
      %select_n3A_212 = arith.select %eq3A_211, %broadcast_in_dim3A_149, %get3A_73 : vector<16xi1>, vector<16xf32>
      %gt3A_213 = arith.cmpf ogt, %select_n3A_156, %select_n3A_152 : vector<16xf32>
      %select_n3A_214 = arith.select %gt3A_213, %select_n3A_156, %select_n3A_152 : vector<16xi1>, vector<16xf32>
      %select_n3A_215 = arith.select %gt3A_213, %broadcast_in_dim3A_76, %broadcast_in_dim3A_74 : vector<16xi1>, vector<16xi32>
      %gt3A_216 = arith.cmpf ogt, %select_n3A_164, %select_n3A_160 : vector<16xf32>
      %select_n3A_217 = arith.select %gt3A_216, %select_n3A_164, %select_n3A_160 : vector<16xi1>, vector<16xf32>
      %select_n3A_218 = arith.select %gt3A_216, %broadcast_in_dim3A_80, %broadcast_in_dim3A_78 : vector<16xi1>, vector<16xi32>
      %gt3A_219 = arith.cmpf ogt, %select_n3A_172, %select_n3A_168 : vector<16xf32>
      %select_n3A_220 = arith.select %gt3A_219, %select_n3A_172, %select_n3A_168 : vector<16xi1>, vector<16xf32>
      %select_n3A_221 = arith.select %gt3A_219, %broadcast_in_dim3A_84, %broadcast_in_dim3A_82 : vector<16xi1>, vector<16xi32>
      %gt3A_222 = arith.cmpf ogt, %select_n3A_180, %select_n3A_176 : vector<16xf32>
      %select_n3A_223 = arith.select %gt3A_222, %select_n3A_180, %select_n3A_176 : vector<16xi1>, vector<16xf32>
      %select_n3A_224 = arith.select %gt3A_222, %broadcast_in_dim3A_88, %broadcast_in_dim3A_86 : vector<16xi1>, vector<16xi32>
      %gt3A_225 = arith.cmpf ogt, %select_n3A_188, %select_n3A_184 : vector<16xf32>
      %select_n3A_226 = arith.select %gt3A_225, %select_n3A_188, %select_n3A_184 : vector<16xi1>, vector<16xf32>
      %select_n3A_227 = arith.select %gt3A_225, %broadcast_in_dim3A_92, %broadcast_in_dim3A_90 : vector<16xi1>, vector<16xi32>
      %gt3A_228 = arith.cmpf ogt, %select_n3A_196, %select_n3A_192 : vector<16xf32>
      %select_n3A_229 = arith.select %gt3A_228, %select_n3A_196, %select_n3A_192 : vector<16xi1>, vector<16xf32>
      %select_n3A_230 = arith.select %gt3A_228, %broadcast_in_dim3A_96, %broadcast_in_dim3A_94 : vector<16xi1>, vector<16xi32>
      %gt3A_231 = arith.cmpf ogt, %select_n3A_204, %select_n3A_200 : vector<16xf32>
      %select_n3A_232 = arith.select %gt3A_231, %select_n3A_204, %select_n3A_200 : vector<16xi1>, vector<16xf32>
      %select_n3A_233 = arith.select %gt3A_231, %broadcast_in_dim3A_100, %broadcast_in_dim3A_98 : vector<16xi1>, vector<16xi32>
      %gt3A_234 = arith.cmpf ogt, %select_n3A_212, %select_n3A_208 : vector<16xf32>
      %select_n3A_235 = arith.select %gt3A_234, %select_n3A_212, %select_n3A_208 : vector<16xi1>, vector<16xf32>
      %select_n3A_236 = arith.select %gt3A_234, %broadcast_in_dim3A_104, %broadcast_in_dim3A_102 : vector<16xi1>, vector<16xi32>
      %gt3A_237 = arith.cmpf ogt, %select_n3A_217, %select_n3A_214 : vector<16xf32>
      %select_n3A_238 = arith.select %gt3A_237, %select_n3A_217, %select_n3A_214 : vector<16xi1>, vector<16xf32>
      %select_n3A_239 = arith.select %gt3A_237, %select_n3A_218, %select_n3A_215 : vector<16xi1>, vector<16xi32>
      %gt3A_240 = arith.cmpf ogt, %select_n3A_223, %select_n3A_220 : vector<16xf32>
      %select_n3A_241 = arith.select %gt3A_240, %select_n3A_223, %select_n3A_220 : vector<16xi1>, vector<16xf32>
      %select_n3A_242 = arith.select %gt3A_240, %select_n3A_224, %select_n3A_221 : vector<16xi1>, vector<16xi32>
      %gt3A_243 = arith.cmpf ogt, %select_n3A_229, %select_n3A_226 : vector<16xf32>
      %select_n3A_244 = arith.select %gt3A_243, %select_n3A_229, %select_n3A_226 : vector<16xi1>, vector<16xf32>
      %select_n3A_245 = arith.select %gt3A_243, %select_n3A_230, %select_n3A_227 : vector<16xi1>, vector<16xi32>
      %gt3A_246 = arith.cmpf ogt, %select_n3A_235, %select_n3A_232 : vector<16xf32>
      %select_n3A_247 = arith.select %gt3A_246, %select_n3A_235, %select_n3A_232 : vector<16xi1>, vector<16xf32>
      %select_n3A_248 = arith.select %gt3A_246, %select_n3A_236, %select_n3A_233 : vector<16xi1>, vector<16xi32>
      %gt3A_249 = arith.cmpf ogt, %select_n3A_241, %select_n3A_238 : vector<16xf32>
      %select_n3A_250 = arith.select %gt3A_249, %select_n3A_241, %select_n3A_238 : vector<16xi1>, vector<16xf32>
      %select_n3A_251 = arith.select %gt3A_249, %select_n3A_242, %select_n3A_239 : vector<16xi1>, vector<16xi32>
      %gt3A_252 = arith.cmpf ogt, %select_n3A_247, %select_n3A_244 : vector<16xf32>
      %select_n3A_253 = arith.select %gt3A_252, %select_n3A_247, %select_n3A_244 : vector<16xi1>, vector<16xf32>
      %select_n3A_254 = arith.select %gt3A_252, %select_n3A_248, %select_n3A_245 : vector<16xi1>, vector<16xi32>
      %gt3A_255 = arith.cmpf ogt, %select_n3A_253, %select_n3A_250 : vector<16xf32>
      %select_n3A_256 = arith.select %gt3A_255, %select_n3A_253, %select_n3A_250 : vector<16xi1>, vector<16xf32>
      %select_n3A_257 = arith.select %gt3A_255, %select_n3A_254, %select_n3A_251 : vector<16xi1>, vector<16xi32>
      %broadcast_in_dim3A_258 = arith.constant 1 : i32
      %broadcast_in_dim3A_259 = vector.broadcast %broadcast_in_dim3A_258 : i32 to vector<16xi32>
      %broadcast_in_dim3A_260 = arith.constant 0 : i32
      %broadcast_in_dim3A_261 = vector.broadcast %broadcast_in_dim3A_260 : i32 to vector<16xi32>
      %eq3A_262 = arith.constant 0 : i32
      %eq3A_263 = vector.broadcast %eq3A_262 : i32 to vector<16xi32>
      %eq3A_264 = arith.cmpi eq, %select_n3A_147, %eq3A_263 : vector<16xi32>
      %select_n3A_265 = arith.select %eq3A_264, %broadcast_in_dim3A_259, %broadcast_in_dim3A_261 : vector<16xi1>, vector<16xi32>
      %swap3A = arith.constant 0 : i32
      %swap3A_266 = arith.constant 0 : i32
      %swap3A_267 = arith.index_cast %swap3A : i32 to index
      %swap3A_268 = arith.index_cast %swap3A_266 : i32 to index
      %swap3A_269 = arith.index_cast %mul3A_10 : i32 to index
      %swap3A_270 = tpu.vector_load %arg5[%swap3A_267, %swap3A_268, %swap3A_269] {strides = array<i32>} : memref<16x2x512xi32, #tpu.memory_space<vmem>>, vector<16xi32>,
      tpu.vector_store %arg5[%swap3A_267, %swap3A_268, %swap3A_269], %select_n3A_265 {strides = array<i32>} : memref<16x2x512xi32, #tpu.memory_space<vmem>>, vector<16xi32>,
      %eq3A_271 = arith.constant 0 : i32
      %eq3A_272 = vector.broadcast %eq3A_271 : i32 to vector<16xi32>
      %eq3A_273 = arith.cmpi eq, %select_n3A_257, %eq3A_272 : vector<16xi32>
      %select_n3A_274 = arith.select %eq3A_273, %broadcast_in_dim3A_259, %broadcast_in_dim3A_261 : vector<16xi1>, vector<16xi32>
      %swap3A_275 = arith.constant 0 : i32
      %swap3A_276 = arith.constant 1 : i32
      %swap3A_277 = arith.index_cast %swap3A_275 : i32 to index
      %swap3A_278 = arith.index_cast %swap3A_276 : i32 to index
      %swap3A_279 = arith.index_cast %mul3A_10 : i32 to index
      %swap3A_280 = tpu.vector_load %arg5[%swap3A_277, %swap3A_278, %swap3A_279] {strides = array<i32>} : memref<16x2x512xi32, #tpu.memory_space<vmem>>, vector<16xi32>,
      tpu.vector_store %arg5[%swap3A_277, %swap3A_278, %swap3A_279], %select_n3A_274 {strides = array<i32>} : memref<16x2x512xi32, #tpu.memory_space<vmem>>, vector<16xi32>,
      %eq3A_281 = arith.constant 1 : i32
      %eq3A_282 = vector.broadcast %eq3A_281 : i32 to vector<16xi32>
      %eq3A_283 = arith.cmpi eq, %select_n3A_147, %eq3A_282 : vector<16xi32>
      %select_n3A_284 = arith.select %eq3A_283, %broadcast_in_dim3A_259, %broadcast_in_dim3A_261 : vector<16xi1>, vector<16xi32>
      %swap3A_285 = arith.constant 1 : i32
      %swap3A_286 = arith.constant 0 : i32
      %swap3A_287 = arith.index_cast %swap3A_285 : i32 to index
      %swap3A_288 = arith.index_cast %swap3A_286 : i32 to index
      %swap3A_289 = arith.index_cast %mul3A_10 : i32 to index
      %swap3A_290 = tpu.vector_load %arg5[%swap3A_287, %swap3A_288, %swap3A_289] {strides = array<i32>} : memref<16x2x512xi32, #tpu.memory_space<vmem>>, vector<16xi32>,
      tpu.vector_store %arg5[%swap3A_287, %swap3A_288, %swap3A_289], %select_n3A_284 {strides = array<i32>} : memref<16x2x512xi32, #tpu.memory_space<vmem>>, vector<16xi32>,
      %eq3A_291 = arith.constant 1 : i32
      %eq3A_292 = vector.broadcast %eq3A_291 : i32 to vector<16xi32>
      %eq3A_293 = arith.cmpi eq, %select_n3A_257, %eq3A_292 : vector<16xi32>
      %select_n3A_294 = arith.select %eq3A_293, %broadcast_in_dim3A_259, %broadcast_in_dim3A_261 : vector<16xi1>, vector<16xi32>
      %swap3A_295 = arith.constant 1 : i32
      %swap3A_296 = arith.constant 1 : i32
      %swap3A_297 = arith.index_cast %swap3A_295 : i32 to index
      %swap3A_298 = arith.index_cast %swap3A_296 : i32 to index
      %swap3A_299 = arith.index_cast %mul3A_10 : i32 to index
      %swap3A_300 = tpu.vector_load %arg5[%swap3A_297, %swap3A_298, %swap3A_299] {strides = array<i32>} : memref<16x2x512xi32, #tpu.memory_space<vmem>>, vector<16xi32>,
      tpu.vector_store %arg5[%swap3A_297, %swap3A_298, %swap3A_299], %select_n3A_294 {strides = array<i32>} : memref<16x2x512xi32, #tpu.memory_space<vmem>>, vector<16xi32>,
      %eq3A_301 = arith.constant 2 : i32
      %eq3A_302 = vector.broadcast %eq3A_301 : i32 to vector<16xi32>
      %eq3A_303 = arith.cmpi eq, %select_n3A_147, %eq3A_302 : vector<16xi32>
      %select_n3A_304 = arith.select %eq3A_303, %broadcast_in_dim3A_259, %broadcast_in_dim3A_261 : vector<16xi1>, vector<16xi32>
      %swap3A_305 = arith.constant 2 : i32
      %swap3A_306 = arith.constant 0 : i32
      %swap3A_307 = arith.index_cast %swap3A_305 : i32 to index
      %swap3A_308 = arith.index_cast %swap3A_306 : i32 to index
      %swap3A_309 = arith.index_cast %mul3A_10 : i32 to index
      %swap3A_310 = tpu.vector_load %arg5[%swap3A_307, %swap3A_308, %swap3A_309] {strides = array<i32>} : memref<16x2x512xi32, #tpu.memory_space<vmem>>, vector<16xi32>,
      tpu.vector_store %arg5[%swap3A_307, %swap3A_308, %swap3A_309], %select_n3A_304 {strides = array<i32>} : memref<16x2x512xi32, #tpu.memory_space<vmem>>, vector<16xi32>,
      %eq3A_311 = arith.constant 2 : i32
      %eq3A_312 = vector.broadcast %eq3A_311 : i32 to vector<16xi32>
      %eq3A_313 = arith.cmpi eq, %select_n3A_257, %eq3A_312 : vector<16xi32>
      %select_n3A_314 = arith.select %eq3A_313, %broadcast_in_dim3A_259, %broadcast_in_dim3A_261 : vector<16xi1>, vector<16xi32>
      %swap3A_315 = arith.constant 2 : i32
      %swap3A_316 = arith.constant 1 : i32
      %swap3A_317 = arith.index_cast %swap3A_315 : i32 to index
      %swap3A_318 = arith.index_cast %swap3A_316 : i32 to index
      %swap3A_319 = arith.index_cast %mul3A_10 : i32 to index
      %swap3A_320 = tpu.vector_load %arg5[%swap3A_317, %swap3A_318, %swap3A_319] {strides = array<i32>} : memref<16x2x512xi32, #tpu.memory_space<vmem>>, vector<16xi32>,
      tpu.vector_store %arg5[%swap3A_317, %swap3A_318, %swap3A_319], %select_n3A_314 {strides = array<i32>} : memref<16x2x512xi32, #tpu.memory_space<vmem>>, vector<16xi32>,
      %eq3A_321 = arith.constant 3 : i32
      %eq3A_322 = vector.broadcast %eq3A_321 : i32 to vector<16xi32>
      %eq3A_323 = arith.cmpi eq, %select_n3A_147, %eq3A_322 : vector<16xi32>
      %select_n3A_324 = arith.select %eq3A_323, %broadcast_in_dim3A_259, %broadcast_in_dim3A_261 : vector<16xi1>, vector<16xi32>
      %swap3A_325 = arith.constant 3 : i32
      %swap3A_326 = arith.constant 0 : i32
      %swap3A_327 = arith.index_cast %swap3A_325 : i32 to index
      %swap3A_328 = arith.index_cast %swap3A_326 : i32 to index
      %swap3A_329 = arith.index_cast %mul3A_10 : i32 to index
      %swap3A_330 = tpu.vector_load %arg5[%swap3A_327, %swap3A_328, %swap3A_329] {strides = array<i32>} : memref<16x2x512xi32, #tpu.memory_space<vmem>>, vector<16xi32>,
      tpu.vector_store %arg5[%swap3A_327, %swap3A_328, %swap3A_329], %select_n3A_324 {strides = array<i32>} : memref<16x2x512xi32, #tpu.memory_space<vmem>>, vector<16xi32>,
      %eq3A_331 = arith.constant 3 : i32
      %eq3A_332 = vector.broadcast %eq3A_331 : i32 to vector<16xi32>
      %eq3A_333 = arith.cmpi eq, %select_n3A_257, %eq3A_332 : vector<16xi32>
      %select_n3A_334 = arith.select %eq3A_333, %broadcast_in_dim3A_259, %broadcast_in_dim3A_261 : vector<16xi1>, vector<16xi32>
      %swap3A_335 = arith.constant 3 : i32
      %swap3A_336 = arith.constant 1 : i32
      %swap3A_337 = arith.index_cast %swap3A_335 : i32 to index
      %swap3A_338 = arith.index_cast %swap3A_336 : i32 to index
      %swap3A_339 = arith.index_cast %mul3A_10 : i32 to index
      %swap3A_340 = tpu.vector_load %arg5[%swap3A_337, %swap3A_338, %swap3A_339] {strides = array<i32>} : memref<16x2x512xi32, #tpu.memory_space<vmem>>, vector<16xi32>,
      tpu.vector_store %arg5[%swap3A_337, %swap3A_338, %swap3A_339], %select_n3A_334 {strides = array<i32>} : memref<16x2x512xi32, #tpu.memory_space<vmem>>, vector<16xi32>,
      %eq3A_341 = arith.constant 4 : i32
      %eq3A_342 = vector.broadcast %eq3A_341 : i32 to vector<16xi32>
      %eq3A_343 = arith.cmpi eq, %select_n3A_147, %eq3A_342 : vector<16xi32>
      %select_n3A_344 = arith.select %eq3A_343, %broadcast_in_dim3A_259, %broadcast_in_dim3A_261 : vector<16xi1>, vector<16xi32>
      %swap3A_345 = arith.constant 4 : i32
      %swap3A_346 = arith.constant 0 : i32
      %swap3A_347 = arith.index_cast %swap3A_345 : i32 to index
      %swap3A_348 = arith.index_cast %swap3A_346 : i32 to index
      %swap3A_349 = arith.index_cast %mul3A_10 : i32 to index
      %swap3A_350 = tpu.vector_load %arg5[%swap3A_347, %swap3A_348, %swap3A_349] {strides = array<i32>} : memref<16x2x512xi32, #tpu.memory_space<vmem>>, vector<16xi32>,
      tpu.vector_store %arg5[%swap3A_347, %swap3A_348, %swap3A_349], %select_n3A_344 {strides = array<i32>} : memref<16x2x512xi32, #tpu.memory_space<vmem>>, vector<16xi32>,
      %eq3A_351 = arith.constant 4 : i32
      %eq3A_352 = vector.broadcast %eq3A_351 : i32 to vector<16xi32>
      %eq3A_353 = arith.cmpi eq, %select_n3A_257, %eq3A_352 : vector<16xi32>
      %select_n3A_354 = arith.select %eq3A_353, %broadcast_in_dim3A_259, %broadcast_in_dim3A_261 : vector<16xi1>, vector<16xi32>
      %swap3A_355 = arith.constant 4 : i32
      %swap3A_356 = arith.constant 1 : i32
      %swap3A_357 = arith.index_cast %swap3A_355 : i32 to index
      %swap3A_358 = arith.index_cast %swap3A_356 : i32 to index
      %swap3A_359 = arith.index_cast %mul3A_10 : i32 to index
      %swap3A_360 = tpu.vector_load %arg5[%swap3A_357, %swap3A_358, %swap3A_359] {strides = array<i32>} : memref<16x2x512xi32, #tpu.memory_space<vmem>>, vector<16xi32>,
      tpu.vector_store %arg5[%swap3A_357, %swap3A_358, %swap3A_359], %select_n3A_354 {strides = array<i32>} : memref<16x2x512xi32, #tpu.memory_space<vmem>>, vector<16xi32>,
      %eq3A_361 = arith.constant 5 : i32
      %eq3A_362 = vector.broadcast %eq3A_361 : i32 to vector<16xi32>
      %eq3A_363 = arith.cmpi eq, %select_n3A_147, %eq3A_362 : vector<16xi32>
      %select_n3A_364 = arith.select %eq3A_363, %broadcast_in_dim3A_259, %broadcast_in_dim3A_261 : vector<16xi1>, vector<16xi32>
      %swap3A_365 = arith.constant 5 : i32
      %swap3A_366 = arith.constant 0 : i32
      %swap3A_367 = arith.index_cast %swap3A_365 : i32 to index
      %swap3A_368 = arith.index_cast %swap3A_366 : i32 to index
      %swap3A_369 = arith.index_cast %mul3A_10 : i32 to index
      %swap3A_370 = tpu.vector_load %arg5[%swap3A_367, %swap3A_368, %swap3A_369] {strides = array<i32>} : memref<16x2x512xi32, #tpu.memory_space<vmem>>, vector<16xi32>,
      tpu.vector_store %arg5[%swap3A_367, %swap3A_368, %swap3A_369], %select_n3A_364 {strides = array<i32>} : memref<16x2x512xi32, #tpu.memory_space<vmem>>, vector<16xi32>,
      %eq3A_371 = arith.constant 5 : i32
      %eq3A_372 = vector.broadcast %eq3A_371 : i32 to vector<16xi32>
      %eq3A_373 = arith.cmpi eq, %select_n3A_257, %eq3A_372 : vector<16xi32>
      %select_n3A_374 = arith.select %eq3A_373, %broadcast_in_dim3A_259, %broadcast_in_dim3A_261 : vector<16xi1>, vector<16xi32>
      %swap3A_375 = arith.constant 5 : i32
      %swap3A_376 = arith.constant 1 : i32
      %swap3A_377 = arith.index_cast %swap3A_375 : i32 to index
      %swap3A_378 = arith.index_cast %swap3A_376 : i32 to index
      %swap3A_379 = arith.index_cast %mul3A_10 : i32 to index
      %swap3A_380 = tpu.vector_load %arg5[%swap3A_377, %swap3A_378, %swap3A_379] {strides = array<i32>} : memref<16x2x512xi32, #tpu.memory_space<vmem>>, vector<16xi32>,
      tpu.vector_store %arg5[%swap3A_377, %swap3A_378, %swap3A_379], %select_n3A_374 {strides = array<i32>} : memref<16x2x512xi32, #tpu.memory_space<vmem>>, vector<16xi32>,
      %eq3A_381 = arith.constant 6 : i32
      %eq3A_382 = vector.broadcast %eq3A_381 : i32 to vector<16xi32>
      %eq3A_383 = arith.cmpi eq, %select_n3A_147, %eq3A_382 : vector<16xi32>
      %select_n3A_384 = arith.select %eq3A_383, %broadcast_in_dim3A_259, %broadcast_in_dim3A_261 : vector<16xi1>, vector<16xi32>
      %swap3A_385 = arith.constant 6 : i32
      %swap3A_386 = arith.constant 0 : i32
      %swap3A_387 = arith.index_cast %swap3A_385 : i32 to index
      %swap3A_388 = arith.index_cast %swap3A_386 : i32 to index
      %swap3A_389 = arith.index_cast %mul3A_10 : i32 to index
      %swap3A_390 = tpu.vector_load %arg5[%swap3A_387, %swap3A_388, %swap3A_389] {strides = array<i32>} : memref<16x2x512xi32, #tpu.memory_space<vmem>>, vector<16xi32>,
      tpu.vector_store %arg5[%swap3A_387, %swap3A_388, %swap3A_389], %select_n3A_384 {strides = array<i32>} : memref<16x2x512xi32, #tpu.memory_space<vmem>>, vector<16xi32>,
      %eq3A_391 = arith.constant 6 : i32
      %eq3A_392 = vector.broadcast %eq3A_391 : i32 to vector<16xi32>
      %eq3A_393 = arith.cmpi eq, %select_n3A_257, %eq3A_392 : vector<16xi32>
      %select_n3A_394 = arith.select %eq3A_393, %broadcast_in_dim3A_259, %broadcast_in_dim3A_261 : vector<16xi1>, vector<16xi32>
      %swap3A_395 = arith.constant 6 : i32
      %swap3A_396 = arith.constant 1 : i32
      %swap3A_397 = arith.index_cast %swap3A_395 : i32 to index
      %swap3A_398 = arith.index_cast %swap3A_396 : i32 to index
      %swap3A_399 = arith.index_cast %mul3A_10 : i32 to index
      %swap3A_400 = tpu.vector_load %arg5[%swap3A_397, %swap3A_398, %swap3A_399] {strides = array<i32>} : memref<16x2x512xi32, #tpu.memory_space<vmem>>, vector<16xi32>,
      tpu.vector_store %arg5[%swap3A_397, %swap3A_398, %swap3A_399], %select_n3A_394 {strides = array<i32>} : memref<16x2x512xi32, #tpu.memory_space<vmem>>, vector<16xi32>,
      %eq3A_401 = arith.constant 7 : i32
      %eq3A_402 = vector.broadcast %eq3A_401 : i32 to vector<16xi32>
      %eq3A_403 = arith.cmpi eq, %select_n3A_147, %eq3A_402 : vector<16xi32>
      %select_n3A_404 = arith.select %eq3A_403, %broadcast_in_dim3A_259, %broadcast_in_dim3A_261 : vector<16xi1>, vector<16xi32>
      %swap3A_405 = arith.constant 7 : i32
      %swap3A_406 = arith.constant 0 : i32
      %swap3A_407 = arith.index_cast %swap3A_405 : i32 to index
      %swap3A_408 = arith.index_cast %swap3A_406 : i32 to index
      %swap3A_409 = arith.index_cast %mul3A_10 : i32 to index
      %swap3A_410 = tpu.vector_load %arg5[%swap3A_407, %swap3A_408, %swap3A_409] {strides = array<i32>} : memref<16x2x512xi32, #tpu.memory_space<vmem>>, vector<16xi32>,
      tpu.vector_store %arg5[%swap3A_407, %swap3A_408, %swap3A_409], %select_n3A_404 {strides = array<i32>} : memref<16x2x512xi32, #tpu.memory_space<vmem>>, vector<16xi32>,
      %eq3A_411 = arith.constant 7 : i32
      %eq3A_412 = vector.broadcast %eq3A_411 : i32 to vector<16xi32>
      %eq3A_413 = arith.cmpi eq, %select_n3A_257, %eq3A_412 : vector<16xi32>
      %select_n3A_414 = arith.select %eq3A_413, %broadcast_in_dim3A_259, %broadcast_in_dim3A_261 : vector<16xi1>, vector<16xi32>
      %swap3A_415 = arith.constant 7 : i32
      %swap3A_416 = arith.constant 1 : i32
      %swap3A_417 = arith.index_cast %swap3A_415 : i32 to index
      %swap3A_418 = arith.index_cast %swap3A_416 : i32 to index
      %swap3A_419 = arith.index_cast %mul3A_10 : i32 to index
      %swap3A_420 = tpu.vector_load %arg5[%swap3A_417, %swap3A_418, %swap3A_419] {strides = array<i32>} : memref<16x2x512xi32, #tpu.memory_space<vmem>>, vector<16xi32>,
      tpu.vector_store %arg5[%swap3A_417, %swap3A_418, %swap3A_419], %select_n3A_414 {strides = array<i32>} : memref<16x2x512xi32, #tpu.memory_space<vmem>>, vector<16xi32>,
      %eq3A_421 = arith.constant 8 : i32
      %eq3A_422 = vector.broadcast %eq3A_421 : i32 to vector<16xi32>
      %eq3A_423 = arith.cmpi eq, %select_n3A_147, %eq3A_422 : vector<16xi32>
      %select_n3A_424 = arith.select %eq3A_423, %broadcast_in_dim3A_259, %broadcast_in_dim3A_261 : vector<16xi1>, vector<16xi32>
      %swap3A_425 = arith.constant 8 : i32
      %swap3A_426 = arith.constant 0 : i32
      %swap3A_427 = arith.index_cast %swap3A_425 : i32 to index
      %swap3A_428 = arith.index_cast %swap3A_426 : i32 to index
      %swap3A_429 = arith.index_cast %mul3A_10 : i32 to index
      %swap3A_430 = tpu.vector_load %arg5[%swap3A_427, %swap3A_428, %swap3A_429] {strides = array<i32>} : memref<16x2x512xi32, #tpu.memory_space<vmem>>, vector<16xi32>,
      tpu.vector_store %arg5[%swap3A_427, %swap3A_428, %swap3A_429], %select_n3A_424 {strides = array<i32>} : memref<16x2x512xi32, #tpu.memory_space<vmem>>, vector<16xi32>,
      %eq3A_431 = arith.constant 8 : i32
      %eq3A_432 = vector.broadcast %eq3A_431 : i32 to vector<16xi32>
      %eq3A_433 = arith.cmpi eq, %select_n3A_257, %eq3A_432 : vector<16xi32>
      %select_n3A_434 = arith.select %eq3A_433, %broadcast_in_dim3A_259, %broadcast_in_dim3A_261 : vector<16xi1>, vector<16xi32>
      %swap3A_435 = arith.constant 8 : i32
      %swap3A_436 = arith.constant 1 : i32
      %swap3A_437 = arith.index_cast %swap3A_435 : i32 to index
      %swap3A_438 = arith.index_cast %swap3A_436 : i32 to index
      %swap3A_439 = arith.index_cast %mul3A_10 : i32 to index
      %swap3A_440 = tpu.vector_load %arg5[%swap3A_437, %swap3A_438, %swap3A_439] {strides = array<i32>} : memref<16x2x512xi32, #tpu.memory_space<vmem>>, vector<16xi32>,
      tpu.vector_store %arg5[%swap3A_437, %swap3A_438, %swap3A_439], %select_n3A_434 {strides = array<i32>} : memref<16x2x512xi32, #tpu.memory_space<vmem>>, vector<16xi32>,
      %eq3A_441 = arith.constant 9 : i32
      %eq3A_442 = vector.broadcast %eq3A_441 : i32 to vector<16xi32>
      %eq3A_443 = arith.cmpi eq, %select_n3A_147, %eq3A_442 : vector<16xi32>
      %select_n3A_444 = arith.select %eq3A_443, %broadcast_in_dim3A_259, %broadcast_in_dim3A_261 : vector<16xi1>, vector<16xi32>
      %swap3A_445 = arith.constant 9 : i32
      %swap3A_446 = arith.constant 0 : i32
      %swap3A_447 = arith.index_cast %swap3A_445 : i32 to index
      %swap3A_448 = arith.index_cast %swap3A_446 : i32 to index
      %swap3A_449 = arith.index_cast %mul3A_10 : i32 to index
      %swap3A_450 = tpu.vector_load %arg5[%swap3A_447, %swap3A_448, %swap3A_449] {strides = array<i32>} : memref<16x2x512xi32, #tpu.memory_space<vmem>>, vector<16xi32>,
      tpu.vector_store %arg5[%swap3A_447, %swap3A_448, %swap3A_449], %select_n3A_444 {strides = array<i32>} : memref<16x2x512xi32, #tpu.memory_space<vmem>>, vector<16xi32>,
      %eq3A_451 = arith.constant 9 : i32
      %eq3A_452 = vector.broadcast %eq3A_451 : i32 to vector<16xi32>
      %eq3A_453 = arith.cmpi eq, %select_n3A_257, %eq3A_452 : vector<16xi32>
      %select_n3A_454 = arith.select %eq3A_453, %broadcast_in_dim3A_259, %broadcast_in_dim3A_261 : vector<16xi1>, vector<16xi32>
      %swap3A_455 = arith.constant 9 : i32
      %swap3A_456 = arith.constant 1 : i32
      %swap3A_457 = arith.index_cast %swap3A_455 : i32 to index
      %swap3A_458 = arith.index_cast %swap3A_456 : i32 to index
      %swap3A_459 = arith.index_cast %mul3A_10 : i32 to index
      %swap3A_460 = tpu.vector_load %arg5[%swap3A_457, %swap3A_458, %swap3A_459] {strides = array<i32>} : memref<16x2x512xi32, #tpu.memory_space<vmem>>, vector<16xi32>,
      tpu.vector_store %arg5[%swap3A_457, %swap3A_458, %swap3A_459], %select_n3A_454 {strides = array<i32>} : memref<16x2x512xi32, #tpu.memory_space<vmem>>, vector<16xi32>,
      %eq3A_461 = arith.constant 10 : i32
      %eq3A_462 = vector.broadcast %eq3A_461 : i32 to vector<16xi32>
      %eq3A_463 = arith.cmpi eq, %select_n3A_147, %eq3A_462 : vector<16xi32>
      %select_n3A_464 = arith.select %eq3A_463, %broadcast_in_dim3A_259, %broadcast_in_dim3A_261 : vector<16xi1>, vector<16xi32>
      %swap3A_465 = arith.constant 10 : i32
      %swap3A_466 = arith.constant 0 : i32
      %swap3A_467 = arith.index_cast %swap3A_465 : i32 to index
      %swap3A_468 = arith.index_cast %swap3A_466 : i32 to index
      %swap3A_469 = arith.index_cast %mul3A_10 : i32 to index
      %swap3A_470 = tpu.vector_load %arg5[%swap3A_467, %swap3A_468, %swap3A_469] {strides = array<i32>} : memref<16x2x512xi32, #tpu.memory_space<vmem>>, vector<16xi32>,
      tpu.vector_store %arg5[%swap3A_467, %swap3A_468, %swap3A_469], %select_n3A_464 {strides = array<i32>} : memref<16x2x512xi32, #tpu.memory_space<vmem>>, vector<16xi32>,
      %eq3A_471 = arith.constant 10 : i32
      %eq3A_472 = vector.broadcast %eq3A_471 : i32 to vector<16xi32>
      %eq3A_473 = arith.cmpi eq, %select_n3A_257, %eq3A_472 : vector<16xi32>
      %select_n3A_474 = arith.select %eq3A_473, %broadcast_in_dim3A_259, %broadcast_in_dim3A_261 : vector<16xi1>, vector<16xi32>
      %swap3A_475 = arith.constant 10 : i32
      %swap3A_476 = arith.constant 1 : i32
      %swap3A_477 = arith.index_cast %swap3A_475 : i32 to index
      %swap3A_478 = arith.index_cast %swap3A_476 : i32 to index
      %swap3A_479 = arith.index_cast %mul3A_10 : i32 to index
      %swap3A_480 = tpu.vector_load %arg5[%swap3A_477, %swap3A_478, %swap3A_479] {strides = array<i32>} : memref<16x2x512xi32, #tpu.memory_space<vmem>>, vector<16xi32>,
      tpu.vector_store %arg5[%swap3A_477, %swap3A_478, %swap3A_479], %select_n3A_474 {strides = array<i32>} : memref<16x2x512xi32, #tpu.memory_space<vmem>>, vector<16xi32>,
      %eq3A_481 = arith.constant 11 : i32
      %eq3A_482 = vector.broadcast %eq3A_481 : i32 to vector<16xi32>
      %eq3A_483 = arith.cmpi eq, %select_n3A_147, %eq3A_482 : vector<16xi32>
      %select_n3A_484 = arith.select %eq3A_483, %broadcast_in_dim3A_259, %broadcast_in_dim3A_261 : vector<16xi1>, vector<16xi32>
      %swap3A_485 = arith.constant 11 : i32
      %swap3A_486 = arith.constant 0 : i32
      %swap3A_487 = arith.index_cast %swap3A_485 : i32 to index
      %swap3A_488 = arith.index_cast %swap3A_486 : i32 to index
      %swap3A_489 = arith.index_cast %mul3A_10 : i32 to index
      %swap3A_490 = tpu.vector_load %arg5[%swap3A_487, %swap3A_488, %swap3A_489] {strides = array<i32>} : memref<16x2x512xi32, #tpu.memory_space<vmem>>, vector<16xi32>,
      tpu.vector_store %arg5[%swap3A_487, %swap3A_488, %swap3A_489], %select_n3A_484 {strides = array<i32>} : memref<16x2x512xi32, #tpu.memory_space<vmem>>, vector<16xi32>,
      %eq3A_491 = arith.constant 11 : i32
      %eq3A_492 = vector.broadcast %eq3A_491 : i32 to vector<16xi32>
      %eq3A_493 = arith.cmpi eq, %select_n3A_257, %eq3A_492 : vector<16xi32>
      %select_n3A_494 = arith.select %eq3A_493, %broadcast_in_dim3A_259, %broadcast_in_dim3A_261 : vector<16xi1>, vector<16xi32>
      %swap3A_495 = arith.constant 11 : i32
      %swap3A_496 = arith.constant 1 : i32
      %swap3A_497 = arith.index_cast %swap3A_495 : i32 to index
      %swap3A_498 = arith.index_cast %swap3A_496 : i32 to index
      %swap3A_499 = arith.index_cast %mul3A_10 : i32 to index
      %swap3A_500 = tpu.vector_load %arg5[%swap3A_497, %swap3A_498, %swap3A_499] {strides = array<i32>} : memref<16x2x512xi32, #tpu.memory_space<vmem>>, vector<16xi32>,
      tpu.vector_store %arg5[%swap3A_497, %swap3A_498, %swap3A_499], %select_n3A_494 {strides = array<i32>} : memref<16x2x512xi32, #tpu.memory_space<vmem>>, vector<16xi32>,
      %eq3A_501 = arith.constant 12 : i32
      %eq3A_502 = vector.broadcast %eq3A_501 : i32 to vector<16xi32>
      %eq3A_503 = arith.cmpi eq, %select_n3A_147, %eq3A_502 : vector<16xi32>
      %select_n3A_504 = arith.select %eq3A_503, %broadcast_in_dim3A_259, %broadcast_in_dim3A_261 : vector<16xi1>, vector<16xi32>
      %swap3A_505 = arith.constant 12 : i32
      %swap3A_506 = arith.constant 0 : i32
      %swap3A_507 = arith.index_cast %swap3A_505 : i32 to index
      %swap3A_508 = arith.index_cast %swap3A_506 : i32 to index
      %swap3A_509 = arith.index_cast %mul3A_10 : i32 to index
      %swap3A_510 = tpu.vector_load %arg5[%swap3A_507, %swap3A_508, %swap3A_509] {strides = array<i32>} : memref<16x2x512xi32, #tpu.memory_space<vmem>>, vector<16xi32>,
      tpu.vector_store %arg5[%swap3A_507, %swap3A_508, %swap3A_509], %select_n3A_504 {strides = array<i32>} : memref<16x2x512xi32, #tpu.memory_space<vmem>>, vector<16xi32>,
      %eq3A_511 = arith.constant 12 : i32
      %eq3A_512 = vector.broadcast %eq3A_511 : i32 to vector<16xi32>
      %eq3A_513 = arith.cmpi eq, %select_n3A_257, %eq3A_512 : vector<16xi32>
      %select_n3A_514 = arith.select %eq3A_513, %broadcast_in_dim3A_259, %broadcast_in_dim3A_261 : vector<16xi1>, vector<16xi32>
      %swap3A_515 = arith.constant 12 : i32
      %swap3A_516 = arith.constant 1 : i32
      %swap3A_517 = arith.index_cast %swap3A_515 : i32 to index
      %swap3A_518 = arith.index_cast %swap3A_516 : i32 to index
      %swap3A_519 = arith.index_cast %mul3A_10 : i32 to index
      %swap3A_520 = tpu.vector_load %arg5[%swap3A_517, %swap3A_518, %swap3A_519] {strides = array<i32>} : memref<16x2x512xi32, #tpu.memory_space<vmem>>, vector<16xi32>,
      tpu.vector_store %arg5[%swap3A_517, %swap3A_518, %swap3A_519], %select_n3A_514 {strides = array<i32>} : memref<16x2x512xi32, #tpu.memory_space<vmem>>, vector<16xi32>,
      %eq3A_521 = arith.constant 13 : i32
      %eq3A_522 = vector.broadcast %eq3A_521 : i32 to vector<16xi32>
      %eq3A_523 = arith.cmpi eq, %select_n3A_147, %eq3A_522 : vector<16xi32>
      %select_n3A_524 = arith.select %eq3A_523, %broadcast_in_dim3A_259, %broadcast_in_dim3A_261 : vector<16xi1>, vector<16xi32>
      %swap3A_525 = arith.constant 13 : i32
      %swap3A_526 = arith.constant 0 : i32
      %swap3A_527 = arith.index_cast %swap3A_525 : i32 to index
      %swap3A_528 = arith.index_cast %swap3A_526 : i32 to index
      %swap3A_529 = arith.index_cast %mul3A_10 : i32 to index
      %swap3A_530 = tpu.vector_load %arg5[%swap3A_527, %swap3A_528, %swap3A_529] {strides = array<i32>} : memref<16x2x512xi32, #tpu.memory_space<vmem>>, vector<16xi32>,
      tpu.vector_store %arg5[%swap3A_527, %swap3A_528, %swap3A_529], %select_n3A_524 {strides = array<i32>} : memref<16x2x512xi32, #tpu.memory_space<vmem>>, vector<16xi32>,
      %eq3A_531 = arith.constant 13 : i32
      %eq3A_532 = vector.broadcast %eq3A_531 : i32 to vector<16xi32>
      %eq3A_533 = arith.cmpi eq, %select_n3A_257, %eq3A_532 : vector<16xi32>
      %select_n3A_534 = arith.select %eq3A_533, %broadcast_in_dim3A_259, %broadcast_in_dim3A_261 : vector<16xi1>, vector<16xi32>
      %swap3A_535 = arith.constant 13 : i32
      %swap3A_536 = arith.constant 1 : i32
      %swap3A_537 = arith.index_cast %swap3A_535 : i32 to index
      %swap3A_538 = arith.index_cast %swap3A_536 : i32 to index
      %swap3A_539 = arith.index_cast %mul3A_10 : i32 to index
      %swap3A_540 = tpu.vector_load %arg5[%swap3A_537, %swap3A_538, %swap3A_539] {strides = array<i32>} : memref<16x2x512xi32, #tpu.memory_space<vmem>>, vector<16xi32>,
      tpu.vector_store %arg5[%swap3A_537, %swap3A_538, %swap3A_539], %select_n3A_534 {strides = array<i32>} : memref<16x2x512xi32, #tpu.memory_space<vmem>>, vector<16xi32>,
      %eq3A_541 = arith.constant 14 : i32
      %eq3A_542 = vector.broadcast %eq3A_541 : i32 to vector<16xi32>
      %eq3A_543 = arith.cmpi eq, %select_n3A_147, %eq3A_542 : vector<16xi32>
      %select_n3A_544 = arith.select %eq3A_543, %broadcast_in_dim3A_259, %broadcast_in_dim3A_261 : vector<16xi1>, vector<16xi32>
      %swap3A_545 = arith.constant 14 : i32
      %swap3A_546 = arith.constant 0 : i32
      %swap3A_547 = arith.index_cast %swap3A_545 : i32 to index
      %swap3A_548 = arith.index_cast %swap3A_546 : i32 to index
      %swap3A_549 = arith.index_cast %mul3A_10 : i32 to index
      %swap3A_550 = tpu.vector_load %arg5[%swap3A_547, %swap3A_548, %swap3A_549] {strides = array<i32>} : memref<16x2x512xi32, #tpu.memory_space<vmem>>, vector<16xi32>,
      tpu.vector_store %arg5[%swap3A_547, %swap3A_548, %swap3A_549], %select_n3A_544 {strides = array<i32>} : memref<16x2x512xi32, #tpu.memory_space<vmem>>, vector<16xi32>,
      %eq3A_551 = arith.constant 14 : i32
      %eq3A_552 = vector.broadcast %eq3A_551 : i32 to vector<16xi32>
      %eq3A_553 = arith.cmpi eq, %select_n3A_257, %eq3A_552 : vector<16xi32>
      %select_n3A_554 = arith.select %eq3A_553, %broadcast_in_dim3A_259, %broadcast_in_dim3A_261 : vector<16xi1>, vector<16xi32>
      %swap3A_555 = arith.constant 14 : i32
      %swap3A_556 = arith.constant 1 : i32
      %swap3A_557 = arith.index_cast %swap3A_555 : i32 to index
      %swap3A_558 = arith.index_cast %swap3A_556 : i32 to index
      %swap3A_559 = arith.index_cast %mul3A_10 : i32 to index
      %swap3A_560 = tpu.vector_load %arg5[%swap3A_557, %swap3A_558, %swap3A_559] {strides = array<i32>} : memref<16x2x512xi32, #tpu.memory_space<vmem>>, vector<16xi32>,
      tpu.vector_store %arg5[%swap3A_557, %swap3A_558, %swap3A_559], %select_n3A_554 {strides = array<i32>} : memref<16x2x512xi32, #tpu.memory_space<vmem>>, vector<16xi32>,
      %eq3A_561 = arith.constant 15 : i32
      %eq3A_562 = vector.broadcast %eq3A_561 : i32 to vector<16xi32>
      %eq3A_563 = arith.cmpi eq, %select_n3A_147, %eq3A_562 : vector<16xi32>
      %select_n3A_564 = arith.select %eq3A_563, %broadcast_in_dim3A_259, %broadcast_in_dim3A_261 : vector<16xi1>, vector<16xi32>
      %swap3A_565 = arith.constant 15 : i32
      %swap3A_566 = arith.constant 0 : i32
      %swap3A_567 = arith.index_cast %swap3A_565 : i32 to index
      %swap3A_568 = arith.index_cast %swap3A_566 : i32 to index
      %swap3A_569 = arith.index_cast %mul3A_10 : i32 to index
      %swap3A_570 = tpu.vector_load %arg5[%swap3A_567, %swap3A_568, %swap3A_569] {strides = array<i32>} : memref<16x2x512xi32, #tpu.memory_space<vmem>>, vector<16xi32>,
      tpu.vector_store %arg5[%swap3A_567, %swap3A_568, %swap3A_569], %select_n3A_564 {strides = array<i32>} : memref<16x2x512xi32, #tpu.memory_space<vmem>>, vector<16xi32>,
      %eq3A_571 = arith.constant 15 : i32
      %eq3A_572 = vector.broadcast %eq3A_571 : i32 to vector<16xi32>
      %eq3A_573 = arith.cmpi eq, %select_n3A_257, %eq3A_572 : vector<16xi32>
      %select_n3A_574 = arith.select %eq3A_573, %broadcast_in_dim3A_259, %broadcast_in_dim3A_261 : vector<16xi1>, vector<16xi32>
      %swap3A_575 = arith.constant 15 : i32
      %swap3A_576 = arith.constant 1 : i32
      %swap3A_577 = arith.index_cast %swap3A_575 : i32 to index
      %swap3A_578 = arith.index_cast %swap3A_576 : i32 to index
      %swap3A_579 = arith.index_cast %mul3A_10 : i32 to index
      %swap3A_580 = tpu.vector_load %arg5[%swap3A_577, %swap3A_578, %swap3A_579] {strides = array<i32>} : memref<16x2x512xi32, #tpu.memory_space<vmem>>, vector<16xi32>,
      tpu.vector_store %arg5[%swap3A_577, %swap3A_578, %swap3A_579], %select_n3A_574 {strides = array<i32>} : memref<16x2x512xi32, #tpu.memory_space<vmem>>, vector<16xi32>,
    }
    %scan3A_7 = arith.constant 32 : i32
    "tpu.region"() ({
      %run_scoped3A = tpu.sem_alloc : memref<!tpu.dma_semaphore, #tpu.memory_space<semaphore_mem>>
      %dma_start3A = arith.constant 0 : i32
      %dma_start3A_8 = arith.constant 0 : i32
      %dma_start3A_9 = tpu.memref_slice %arg3[%dma_start3A, %dma_start3A_8, %mul3A_2] : memref<16x2x16384xi32, #tpu.memory_space<hbm>> -> memref<16x2x512xi32, #tpu.memory_space<hbm>>
      %dma_start3A_10 = arith.constant 0 : i32
      %dma_start3A_11 = arith.constant 0 : i32
      %dma_start3A_12 = tpu.memref_slice %arg3[%dma_start3A_10, %dma_start3A_11, %mul3A_2] : memref<16x2x16384xi32, #tpu.memory_space<hbm>> -> memref<16x2x512xi32, #tpu.memory_space<hbm>>
      tpu.enqueue_dma source(%arg5 : memref<16x2x512xi32, #tpu.memory_space<vmem>>) target(%dma_start3A_12 : memref<16x2x512xi32, #tpu.memory_space<hbm>>) target_semaphore(%run_scoped3A : memref<!tpu.dma_semaphore, #tpu.memory_space<semaphore_mem>>)
      %dma_wait3A = arith.constant 0 : i32
      %dma_wait3A_13 = arith.constant 0 : i32
      %dma_wait3A_14 = tpu.memref_slice %arg3[%dma_wait3A, %dma_wait3A_13, %mul3A_2] : memref<16x2x16384xi32, #tpu.memory_space<hbm>> -> memref<16x2x512xi32, #tpu.memory_space<hbm>>
      %dma_wait3A_15 = arith.constant 0 : i32
      %dma_wait3A_16 = arith.constant 0 : i32
      %dma_wait3A_17 = tpu.memref_slice %arg3[%dma_wait3A_15, %dma_wait3A_16, %mul3A_2] : memref<16x2x16384xi32, #tpu.memory_space<hbm>> -> memref<16x2x512xi32, #tpu.memory_space<hbm>>
      tpu.wait_dma2 semaphore(%run_scoped3A : memref<!tpu.dma_semaphore, #tpu.memory_space<semaphore_mem>>) src(%arg5 : memref<16x2x512xi32, #tpu.memory_space<vmem>>) dst(%dma_wait3A_17 : memref<16x2x512xi32, #tpu.memory_space<hbm>>)
      tpu.yield
    }) : () -> ()
    return
  }
}

module attributes {stable_mosaic.version = 14 : i64} {
  func.func @_gate_body(%arg0: i32, %arg1: memref<1024x2048xf32, #tpu.memory_space<vmem>>, %arg2: memref<16x2048xf32, #tpu.memory_space<vmem>>, %arg3: memref<16xf32, #tpu.memory_space<vmem>>, %arg4: memref<16x1024xf32, #tpu.memory_space<vmem>>, %arg5: memref<2x1024xf32, #tpu.memory_space<vmem>>, %arg6: memref<2x1024xi32, #tpu.memory_space<vmem>>, %arg7: memref<2x16x512xf32, #tpu.memory_space<vmem>>) attributes {dimension_semantics = [#tpu.dimension_semantics<arbitrary>], iteration_bounds = array<i64: 16>, scalar_prefetch = 0 : i64, scratch_operands = 0 : i64, tpu.core_type = #tpu.core_type<tc>, window_params = [{transform_indices = @transform_0, window_bounds = array<i64: 1024, 2048>}, {pipeline_mode = #tpu.pipeline_mode<synchronous>, transform_indices = @transform_1, window_bounds = array<i64: 16, 2048>}, {pipeline_mode = #tpu.pipeline_mode<synchronous>, transform_indices = @transform_2, window_bounds = array<i64: 16>}, {transform_indices = @transform_3, window_bounds = array<i64: 16, 1024>}, {transform_indices = @transform_4, window_bounds = array<i64: 2, 1024>}, {transform_indices = @transform_5, window_bounds = array<i64: 2, 1024>}, {transform_indices = @transform_6, window_bounds = array<i64: 2, 16, 512>}]} {
    %get3A = arith.constant 0 : index
    %get3A_0 = arith.constant 0 : index
    %get3A_1 = vector.load %arg2[%get3A, %get3A_0] : memref<16x2048xf32, #tpu.memory_space<vmem>>, vector<16x2048xf32>
    %get3A_2 = arith.constant 0 : index
    %get3A_3 = arith.constant 0 : index
    %get3A_4 = vector.load %arg1[%get3A_2, %get3A_3] : memref<1024x2048xf32, #tpu.memory_space<vmem>>, vector<1024x2048xf32>
    %dot_general3A = arith.constant dense<0.000000e+00> : vector<16x1024xf32>
    %dot_general3A_5 = tpu.matmul %get3A_1, %get3A_4, %dot_general3A {dimension_numbers = #tpu.dot_dimension_numbers<[1], [1], [0], [0], [0, 0, 1, 0], [], []>, transpose_lhs_hint = false} : vector<16x2048xf32>, vector<1024x2048xf32>, vector<16x1024xf32> -> vector<16x1024xf32>
    %get3A_6 = arith.constant 0 : index
    %get3A_7 = vector.load %arg3[%get3A_6] : memref<16xf32, #tpu.memory_space<vmem>>, vector<16xf32>
    %reshape3A = vector.shape_cast %get3A_7 : vector<16xf32> to vector<16x1xf32>
    %add3A = vector.broadcast %reshape3A : vector<16x1xf32> to vector<16x1024xf32>
    %add3A_8 = arith.addf %dot_general3A_5, %add3A : vector<16x1024xf32>
    %swap3A = arith.constant 0 : index
    %swap3A_9 = arith.constant 0 : index
    %swap3A_10 = vector.load %arg4[%swap3A, %swap3A_9] : memref<16x1024xf32, #tpu.memory_space<vmem>>, vector<16x1024xf32>
    tpu.vector_store %arg4[%swap3A, %swap3A_9], %add3A_8 {strides = array<i32>} : memref<16x1024xf32, #tpu.memory_space<vmem>>, vector<16x1024xf32>,
    %slice3A = vector.extract_strided_slice %add3A_8 {offsets = [0, 0], sizes = [16, 512], strides = [1, 1]} : vector<16x1024xf32> to vector<16x512xf32>
    %swap3A_11 = arith.constant 0 : index
    %swap3A_12 = arith.constant 0 : index
    %swap3A_13 = arith.constant 0 : index
    %swap3A_14 = vector.load %arg7[%swap3A_11, %swap3A_12, %swap3A_13] : memref<2x16x512xf32, #tpu.memory_space<vmem>>, vector<1x16x512xf32>
    %swap3A_15 = vector.shape_cast %swap3A_14 : vector<1x16x512xf32> to vector<16x512xf32>
    %swap3A_16 = vector.shape_cast %slice3A : vector<16x512xf32> to vector<1x16x512xf32>
    tpu.vector_store %arg7[%swap3A_11, %swap3A_12, %swap3A_13], %swap3A_16 {strides = array<i32>} : memref<2x16x512xf32, #tpu.memory_space<vmem>>, vector<1x16x512xf32>,
    %slice3A_17 = vector.extract_strided_slice %add3A_8 {offsets = [0, 512], sizes = [16, 512], strides = [1, 1]} : vector<16x1024xf32> to vector<16x512xf32>
    %swap3A_18 = arith.constant 1 : index
    %swap3A_19 = arith.constant 0 : index
    %swap3A_20 = arith.constant 0 : index
    %swap3A_21 = vector.load %arg7[%swap3A_18, %swap3A_19, %swap3A_20] : memref<2x16x512xf32, #tpu.memory_space<vmem>>, vector<1x16x512xf32>
    %swap3A_22 = vector.shape_cast %swap3A_21 : vector<1x16x512xf32> to vector<16x512xf32>
    %swap3A_23 = vector.shape_cast %slice3A_17 : vector<16x512xf32> to vector<1x16x512xf32>
    tpu.vector_store %arg7[%swap3A_18, %swap3A_19, %swap3A_20], %swap3A_23 {strides = array<i32>} : memref<2x16x512xf32, #tpu.memory_space<vmem>>, vector<1x16x512xf32>,
    %iota3A = tpu.iota {dimensions = array<i32: 0>} : vector<16x1024xi32>
    %reduce_max3A = arith.constant dense<0xFF800000> : vector<1024xf32>
    %reduce_max3A_24 = vector.multi_reduction <maximumf>, %add3A_8, %reduce_max3A [0] : vector<16x1024xf32> to vector<1024xf32>
    %broadcast_in_dim3A = vector.shape_cast %reduce_max3A_24 : vector<1024xf32> to vector<1x1024xf32>
    %eq3A = vector.broadcast %broadcast_in_dim3A : vector<1x1024xf32> to vector<16x1024xf32>
    %eq3A_25 = arith.cmpf oeq, %add3A_8, %eq3A : vector<16x1024xf32>
    %jit3A = arith.constant 16 : i32
    %broadcast_in_dim3A_26 = vector.broadcast %jit3A : i32 to vector<16x1024xi32>
    %select_n3A = arith.select %eq3A_25, %iota3A, %broadcast_in_dim3A_26 : vector<16x1024xi1>, vector<16x1024xi32>
    %reduce_min3A = arith.constant dense<2147483647> : vector<1024xi32>
    %reduce_min3A_27 = vector.multi_reduction <minsi>, %select_n3A, %reduce_min3A [0] : vector<16x1024xi32> to vector<1024xi32>
    %broadcast_in_dim3A_28 = vector.shape_cast %reduce_min3A_27 : vector<1024xi32> to vector<1x1024xi32>
    %eq3A_29 = vector.broadcast %broadcast_in_dim3A_28 : vector<1x1024xi32> to vector<16x1024xi32>
    %eq3A_30 = arith.cmpi eq, %iota3A, %eq3A_29 : vector<16x1024xi32>
    %jit3A_31 = arith.constant 0xFF800000 : f32
    %broadcast_in_dim3A_32 = vector.broadcast %jit3A_31 : f32 to vector<16x1024xf32>
    %select_n3A_33 = arith.select %eq3A_30, %broadcast_in_dim3A_32, %add3A_8 : vector<16x1024xi1>, vector<16x1024xf32>
    %reduce_max3A_34 = arith.constant dense<0xFF800000> : vector<1024xf32>
    %reduce_max3A_35 = vector.multi_reduction <maximumf>, %select_n3A_33, %reduce_max3A_34 [0] : vector<16x1024xf32> to vector<1024xf32>
    %broadcast_in_dim3A_36 = vector.shape_cast %reduce_max3A_35 : vector<1024xf32> to vector<1x1024xf32>
    %eq3A_37 = vector.broadcast %broadcast_in_dim3A_36 : vector<1x1024xf32> to vector<16x1024xf32>
    %eq3A_38 = arith.cmpf oeq, %select_n3A_33, %eq3A_37 : vector<16x1024xf32>
    %jit3A_39 = arith.constant 16 : i32
    %broadcast_in_dim3A_40 = vector.broadcast %jit3A_39 : i32 to vector<16x1024xi32>
    %select_n3A_41 = arith.select %eq3A_38, %iota3A, %broadcast_in_dim3A_40 : vector<16x1024xi1>, vector<16x1024xi32>
    %reduce_min3A_42 = arith.constant dense<2147483647> : vector<1024xi32>
    %reduce_min3A_43 = vector.multi_reduction <minsi>, %select_n3A_41, %reduce_min3A_42 [0] : vector<16x1024xi32> to vector<1024xi32>
    %broadcast_in_dim3A_44 = vector.shape_cast %reduce_min3A_43 : vector<1024xi32> to vector<1x1024xi32>
    %sub3A = arith.subf %broadcast_in_dim3A_36, %broadcast_in_dim3A : vector<1x1024xf32>
    %exp3A = math.exp %sub3A : vector<1x1024xf32>
    %add3A_45 = arith.constant 1.000000e+00 : f32
    %add3A_46 = vector.broadcast %add3A_45 : f32 to vector<1x1024xf32>
    %add3A_47 = arith.addf %add3A_46, %exp3A : vector<1x1024xf32>
    %div3A = arith.constant 1.000000e+00 : f32
    %div3A_48 = vector.broadcast %div3A : f32 to vector<1x1024xf32>
    %div3A_49 = arith.divf %div3A_48, %add3A_47 : vector<1x1024xf32>
    %div3A_50 = arith.divf %exp3A, %add3A_47 : vector<1x1024xf32>
    %concatenate3A = tpu.concatenate %div3A_49, %div3A_50 in 0 : vector<1x1024xf32>, vector<1x1024xf32> -> vector<2x1024xf32>
    %swap3A_51 = arith.constant 0 : index
    %swap3A_52 = arith.constant 0 : index
    %swap3A_53 = vector.load %arg5[%swap3A_51, %swap3A_52] : memref<2x1024xf32, #tpu.memory_space<vmem>>, vector<2x1024xf32>
    tpu.vector_store %arg5[%swap3A_51, %swap3A_52], %concatenate3A {strides = array<i32>} : memref<2x1024xf32, #tpu.memory_space<vmem>>, vector<2x1024xf32>,
    %concatenate3A_54 = tpu.concatenate %broadcast_in_dim3A_28, %broadcast_in_dim3A_44 in 0 : vector<1x1024xi32>, vector<1x1024xi32> -> vector<2x1024xi32>
    %swap3A_55 = arith.constant 0 : index
    %swap3A_56 = arith.constant 0 : index
    %swap3A_57 = vector.load %arg6[%swap3A_55, %swap3A_56] : memref<2x1024xi32, #tpu.memory_space<vmem>>, vector<2x1024xi32>
    tpu.vector_store %arg6[%swap3A_55, %swap3A_56], %concatenate3A_54 {strides = array<i32>} : memref<2x1024xi32, #tpu.memory_space<vmem>>, vector<2x1024xi32>,
    return
  }
  func.func @transform_0(%arg0: i32) -> (i32, i32) {
    %c0_i32 = arith.constant 0 : i32
    %c0_i32_0 = arith.constant 0 : i32
    return %arg0, %c0_i32 : i32, i32
  }
  func.func @transform_1(%arg0: i32) -> (i32, i32) {
    %c0_i32 = arith.constant 0 : i32
    %c0_i32_0 = arith.constant 0 : i32
    %c0_i32_1 = arith.constant 0 : i32
    return %c0_i32, %c0_i32_0 : i32, i32
  }
  func.func @transform_2(%arg0: i32) -> i32 {
    %c0_i32 = arith.constant 0 : i32
    %c0_i32_0 = arith.constant 0 : i32
    return %c0_i32 : i32
  }
  func.func @transform_3(%arg0: i32) -> (i32, i32) {
    %c0_i32 = arith.constant 0 : i32
    %c0_i32_0 = arith.constant 0 : i32
    return %c0_i32, %arg0 : i32, i32
  }
  func.func @transform_4(%arg0: i32) -> (i32, i32) {
    %c0_i32 = arith.constant 0 : i32
    %c0_i32_0 = arith.constant 0 : i32
    return %c0_i32, %arg0 : i32, i32
  }
  func.func @transform_5(%arg0: i32) -> (i32, i32) {
    %c0_i32 = arith.constant 0 : i32
    %c0_i32_0 = arith.constant 0 : i32
    return %c0_i32, %arg0 : i32, i32
  }
  func.func @transform_6(%arg0: i32) -> (i32, i32, i32) {
    %c0_i32 = arith.constant 0 : i32
    %c0_i32_0 = arith.constant 0 : i32
    %c0_i32_1 = arith.constant 0 : i32
    return %arg0, %c0_i32, %c0_i32_0 : i32, i32, i32
  }
}

</mosaic_0001>

<sc_bundles>
// kernel: kernel.4.cloned.1.call-start
scs
__scs_entry_jumppad:
0x0: {  	(pc) =	sbr.rel $0x88, $3  }
0x1: {  	(tag) =	ssettag $0x0;
	lr =	simm.s32 $0x1  }
0x2: {  	[smem:$0x3F9E] =	sst lr;
	_ =	strace $0xD0000000  }
0x3: {  	_ = 	snop  }
0x4: {  	_ = 	snop  }
0x5: {  	_ = 	snop  }
0x6: {  	_ = 	snop  }
0x7: {  	_ = 	snop  }
__scs_overlays_trampoline_lowered:
0x8: {  	[smem:$0x3FAD] =	sst s0  }
0x9: {  	[smem:$0x3FAE] =	sst s1  }
0xa: {  	[smem:$0x3FAF] =	sst s2  }
0xb: {  	[smem:$0x3FB0] =	sst s3  }
0xc: {  	[smem:$0x3FB1] =	sst s4  }
0xd: {  	[smem:$0x3FB2] =	sst s5  }
0xe: {  	[smem:$0x3FB3] =	sst s6  }
0xf: {  	[smem:$0x3FB4] =	sst s7  }
0x10: {  	[smem:$0x3FB5] =	sst s8  }
0x11: {  	[smem:$0x3FB6] =	sst s9;
	s0 =	simm.s32 @!p0 $0x0  }
0x12: {  	s1 =	sld [smem:$0x3F9C];
	s0 =	simm.s32 @p0 $0x1  }
0x13: {  	[smem:$0x3FB7] =	sst s0;
	s0 =	simm.s32 @!p1 $0x0  }
0x14: {  	s2 =	sld [smem:$0x3F9B];
	s0 =	simm.s32 @p1 $0x1  }
0x15: {  	[smem:$0x3FB8] =	sst s0;
	s0 =	simm.s32 @!p2 $0x0  }
0x16: {  	s3 =	sld [smem:$0x3FDB];
	s0 =	simm.s32 @p2 $0x1  }
0x17: {  	s4 =	simm.s32 $0x1BF5;
	[smem:$0x3FBA] =	sst s0  }
0x18: {  	s0 =	sld [smem:$0x3F9D];
	_ =	swait.ge [sflag:s4], $0x0  }
0x19: {  	s7 =	sld [smem:$0x3F9E]  }
0x1a: {  	s8 =	sadd.s32 $0xFFFFE003, lr  }
0x1b: {  	s9 =	sadd.s32 $0xFFFFFEF7, lr;
	s5 =	simm.s32 $0xFFFFFFFF;
	p2 =	slt.u32 s8, $0xFFFFF086  }
0x1c: {  	p1 =	slt.u32 s9, $0xF7A;
	s5 =	simm.s32 @!p2 $0x0  }
0x1d: {  	s5 =	simm.s32 @p1 $0x1;
	p0 =	seq.s32 s7, s2  }
0x1e: {  	s7 =	smul.u32 @!p0 $0xF7A, s2;
	p2 =	seq.s32 @!p0 s5, $0x0  }
0x1f: {  	s9 =	smul.u32 $0xF7A, s1;
	s8 =	simm.s32 @!p0 $0x1BF5;
	p2 =	por !p2, p0  }
0x20: {  	[sflag:s8] =	ssyncset.s32 @!p0 $0xFFFFF086;
	s6 =	sadd.s32 @!p0 s3, s7;
	s7 =	simm.s32 @!p0 $0x108  }
0x21: {  	s3 =	sadd.s32 s3, s9;
	s6 =	sadd.s32 @!p0 $0x88, s6;
	s7 =	simm.s32 @p2 $0x1082  }
0x22: {  	[simem:s7], [sflag:s8] =	dma.local @!p0 [hbm:s6], $0xF7A  }
0x23: {  	s9 =	sor.u32 $0xD0000000, s2;
	s6 =	simm.s32 $0x108;
	_ =	swait.ge @!p0 [sflag:s8], $0x0  }
0x24: {  	s3 =	sadd.s32 $0x88, s3;
	s6 =	simm.s32 @!p1 $0x1082;
	[sflag:s4] =	ssyncset.s32 $0xFFFFF086  }
0x25: {  	[simem:s6], [sflag:s4] =	dma.local [hbm:s3], $0xF7A  }
0x26: {  	[smem:$0x3F9E] =	sst s1;
	(tag) =	ssettag s2;
	_ =	strace s9  }
0x27: {  	s1 =	sld [smem:$0x3FAE]  }
0x28: {  	s2 =	sld [smem:$0x3FAF]  }
0x29: {  	s4 =	sld [smem:$0x3FB1]  }
0x2a: {  	p0 =	seq.s32 s5, $0x0;
	s5 =	sld [smem:$0x3FB2]  }
0x2b: {  	s6 =	sld [smem:$0x3FB3]  }
0x2c: {  	s7 =	sld [smem:$0x3FB4]  }
0x2d: {  	s3 =	simm.s32 $0x108;
	s8 =	sld [smem:$0x3FB5]  }
0x2e: {  	s3 =	simm.s32 @!p0 $0x1082;
	s9 =	sld [smem:$0x3FB6]  }
0x2f: {  	lr =	sadd.s32 s0, s3;
	s0 =	sld [smem:$0x3FAD]  }
0x30: {  	s3 =	sld [smem:$0x3FB0]  }
0x31: {  	[smem:$0x3FB9] =	sst s10  }
0x32: {  	s10 =	sld [smem:$0x3FB7];
	_ =	sdelay $0x3  }
0x33: {  	p0 =	seq.s32 s10, $0x1;
	s10 =	sld [smem:$0x3FB9];
	_ =	sdelay $0x3  }
0x34: {  	[smem:$0x3FB9] =	sst s10  }
0x35: {  	s10 =	sld [smem:$0x3FB8];
	_ =	sdelay $0x3  }
0x36: {  	p1 =	seq.s32 s10, $0x1;
	s10 =	sld [smem:$0x3FB9];
	_ =	sdelay $0x3  }
0x37: {  	[smem:$0x3FB9] =	sst s10  }
0x38: {  	s10 =	sld [smem:$0x3FBA]  }
0x39: {  	_ = 	snop;
	(pc) =	sbr.ind lr, $3  }
0x3a: {  	_ = 	snop  }
0x3b: {  	_ = 	snop  }
0x3c: {  	p2 =	seq.s32 s10, $0x1;
	s10 =	sld [smem:$0x3FB9]  }
0x3d: {  	_ =	shalt  }
0x3e: {  	_ =	shalt  }
0x3f: {  	_ =	shalt  }
0x40: {  	_ =	shalt  }
0x41: {  	_ =	shalt  }
0x42: {  	_ =	shalt  }
0x43: {  	_ =	shalt  }
0x44: {  	_ =	shalt  }
0x45: {  	_ =	shalt  }
0x46: {  	_ =	shalt  }
0x47: {  	_ =	shalt  }
0x48: {  	_ =	shalt  }
0x49: {  	_ =	shalt  }
0x4a: {  	_ =	shalt  }
0x4b: {  	_ =	shalt  }
0x4c: {  	_ =	shalt  }
0x4d: {  	_ =	shalt  }
0x4e: {  	_ =	shalt  }
0x4f: {  	_ =	shalt  }
0x50: {  	_ =	shalt  }
0x51: {  	_ =	shalt  }
0x52: {  	_ =	shalt  }
0x53: {  	_ =	shalt  }
0x54: {  	_ =	shalt  }
0x55: {  	_ =	shalt  }
0x56: {  	_ =	shalt  }
0x57: {  	_ =	shalt  }
0x58: {  	_ =	shalt  }
0x59: {  	_ =	shalt  }
0x5a: {  	_ =	shalt  }
0x5b: {  	_ =	shalt  }
0x5c: {  	_ =	shalt  }
0x5d: {  	_ =	shalt  }
0x5e: {  	_ =	shalt  }
0x5f: {  	_ =	shalt  }
0x60: {  	_ =	shalt  }
0x61: {  	_ =	shalt  }
0x62: {  	_ =	shalt  }
0x63: {  	_ =	shalt  }
0x64: {  	_ =	shalt  }
0x65: {  	_ =	shalt  }
0x66: {  	_ =	shalt  }
0x67: {  	_ =	shalt  }
0x68: {  	_ =	shalt  }
0x69: {  	_ =	shalt  }
0x6a: {  	_ =	shalt  }
0x6b: {  	_ =	shalt  }
0x6c: {  	_ =	shalt  }
0x6d: {  	_ =	shalt  }
0x6e: {  	_ =	shalt  }
0x6f: {  	_ =	shalt  }
0x70: {  	_ =	shalt  }
0x71: {  	_ =	shalt  }
0x72: {  	_ =	shalt  }
0x73: {  	_ =	shalt  }
0x74: {  	_ =	shalt  }
0x75: {  	_ =	shalt  }
0x76: {  	_ =	shalt  }
0x77: {  	_ =	shalt  }
0x78: {  	_ =	shalt  }
0x79: {  	_ =	shalt  }
0x7a: {  	_ =	shalt  }
0x7b: {  	_ =	shalt  }
0x7c: {  	_ =	shalt  }
0x7d: {  	_ =	shalt  }
0x7e: {  	_ =	shalt  }
0x7f: {  	_ =	shalt  }
0x80: {  	_ =	shalt  }
0x81: {  	_ =	shalt  }
0x82: {  	_ =	shalt  }
0x83: {  	_ =	shalt  }
0x84: {  	_ =	shalt  }
0x85: {  	_ =	shalt  }
0x86: {  	_ =	shalt  }
0x87: {  	_ =	shalt  }
.Lfunc_end0:
.L_simem_size_0:
called_computation_lowered:
.L_overlay_start_0:
0x88: {  	s2 =	sld [smem:$0x3FD9]  }
0x89: {  	s3 =	sld [smem:$0x3FFE];
	_ =	sdelay $0x1  }
0x8a: {  	s1 =	srdreg.scid  }
0x8b: {  	s0 =	sand.u32 $0x1, s1  }
0x8c: {  	s14 =	sshll.u32 s0, $0xA;
	s2 =	sadd.s32 s3, s2  }
0x8d: {  	s2 =	sadd.s32 s2, s14  }
0x8e: {  	[smem:$0x3FC5] =	sst s2  }
0x8f: {  	_ = 	snop  }
0x90: {  	s2 =	sld [smem:$0x3FD0];
	_ =	sdelay $0x2  }
0x91: {  	s15 =	simm.s32 $0xA;
	s4 =	simm.s32 $0x10  }
0x92: {  	[smem:s4], [sflag:s15] =	dma.local [hbm:s2], $0x1  }
0x93: {  	_ =	swait.eq [sflag:s15], $0x1  }
0x94: {  	[sflag:s15] =	ssyncset.done $0x0  }
0x95: {  	[sflag:s15] =	ssyncadd.s32 $0xFFFFFFFF  }
0x96: {  	s16 =	sld [smem:$0x13];
	(tm) =	ssettm $0x1  }
0x97: {  	s17 =	sld [smem:$0x3FFB];
	_ =	sdelay $0x3  }
0x98: {  	_ =	strace s17  }
0x99: {  	s3 =	sld [smem:$0x3FFC];
	_ =	sdelay $0x3  }
0x9a: {  	_ =	strace s3  }
0x9b: {  	s3 =	sld [smem:$0x3FFD];
	_ =	sdelay $0x3  }
0x9c: {  	_ =	strace s3  }
0x9d: {  	_ =	strace $0x8FFFFFFF  }
0x9e: {  	s18 =	sld [smem:$0x3FDB];
	_ =	sdelay $0x1  }
0x9f: {  	s19 =	simm.s32 $_scs_section_size  }
0xa0: {  	s5 =	simm.s32 $_size__tile_overlayer_lowered;
	s6 =	simm.s32 $_tile_overlayer_lowered  }
0xa1: {  	s22 =	simm.s32 $0x1BFF;
	s21 =	sshll.u32 s6, $0x1;
	s3 =	sadd.s32 s19, s18  }
0xa2: {  	s7 =	simm.s32 $0x0;
	s20 =	sshll.u32 s5, $0x1;
	s5 =	sadd.s32 s21, s3  }
0xa3: {  	[timem:s7], [sflag:s22] =	dma.local [hbm:s5], s20  }
0xa4: {  	_ =	swait.ge [sflag:s22], s20  }
0xa5: {  	s4 =	ssub.s32 $0x0, s20;
	[sflag:s22] =	ssyncset.done $0x0  }
0xa6: {  	[sflag:s22] =	ssyncadd.s32 s4;
	_ =	sdelay $0x1  }
0xa7: {  	s23 =	simm.s32 $0x1B8B  }
0xa8: {  	_ =	swait.ge [sflag:s23], $0x1  }
0xa9: {  	[sflag:s23] =	ssyncset.done $0x0  }
0xaa: {  	s25 =	simm.s32 $0x1B8E;
	s24 =	sld [smem:$0x3FFE];
	[sflag:s23] =	ssyncadd.s32 $0xFFFFFFFF  }
0xab: {  	s26 =	simm.s32 $execute0_lowered;
	[smem:$0x3FD2] =	sst s25  }
0xac: {  	s5 =	sshll.u32 s26, $0x1;
	_ =	strace $0x80000046;
	[dreg:$0x1] =	wrdreg $0xFFFFFFFF  }
0xad: {  	s28 =	simm.s32 $_size_execute0_lowered;
	s3 =	sadd.s32 s3, s5;
	[dreg:$0x0] =	wrdreg $0x0  }
0xae: {  	s5 =	sshll.u32 s28, $0x1;
	[dreg:$0x2] =	wrdreg s3  }
0xaf: {  	[dreg:$0x3] =	wrdreg s5  }
0xb0: {  	[dreg:$0x4] =	wrdreg $0xC0  }
0xb1: {  	_ =	task [dreg:s7], $0x5FFFF  }
0xb2: {  	[dreg:$0x1] =	wrdreg $0xFFFFFFFF  }
0xb3: {  	[dreg:$0x0] =	wrdreg $0x60  }
0xb4: {  	[dreg:$0x2] =	wrdreg s24  }
0xb5: {  	[dreg:$0x3] =	wrdreg s16  }
0xb6: {  	[dreg:$0x4] =	wrdreg $0x9  }
0xb7: {  	_ =	task.clear_ibuf [dreg:s7], $0x5FFFF;
	_ =	strace $0x90000046  }
0xb8: {  	s29 =	simm.s32 $0x9;
	_ =	strace $0x80000048  }
0xb9: {  	_ =	swait.ge [sflag:s29], $0x1  }
0xba: {  	[sflag:s29] =	ssyncadd.s32 $0xFFFFFFFF  }
0xbb: {  	_ =	strace $0x90000048  }
0xbc: {  	_ =	sfence  }
0xbd: {  	s30 =	sld [smem:$0x0];
	_ =	sdelay $0x2  }
0xbe: {  	s31 =	sshll.u32 s1, $0xD;
	s1 =	sshrl.u32 s1, $0x2  }
0xbf: {  	s3 =	sand.u32 $0x4000, s31;
	s1 =	sadd.s32 s1, s30  }
0xc0: {  	s0 =	sor.u32 s3, s0;
	s1 =	sshll.u32 s1, $0x11  }
0xc1: {  	s0 =	sor.u32 s1, s0  }
0xc2: {  	s0 =	sadd.s32 $0x8F2B, s0  }
0xc3: {  	[sflag:s0] =	ssyncadd.remote.s32 $0x1  }
0xc4: {  	_ =	sfence.sel $0xFFFF  }
0xc5: {  	[dreg:$0x0] =	wrdreg $0xFFFFFFFF;
	(pc) =	sbr.abs _section_cstart, $3  }
0xc6: {  	[dreg:$0x1] =	wrdreg $0xFFFFFFFF  }
0xc7: {  	_ =	task.clear_ibuf [dreg:s7], $0x2FFFF;
	_ =	strace $0x9FFFFFFF  }
0xc8: {  	(tm) =	ssettm $0x7FFFFFFF  }
0xc9: {  	_ =	shalt  }
tec
execute0_lowered:
.L_overlay_start_1:
0x0: {  	(tag) =	ssettag $0x1  }
0x1: {  	s3 =	rddreg [dreg:$0x0]  }
0x2: {  	s4 =	rddreg [dreg:$0x1]  }
0x3: {  	s0 =	rddreg [dreg:$0x2];
	s5 =	srdreg.scid  }
0x4: {  	s1 =	stileid.u32;
	s2 =	simm.s32 $0x0;
	s8 =	simm.s32 $0x8000  }
0x5: {  	s9 =	simm.s32 $0x2000;
	s5 =	sand.u32 $0x1, s5;
	s6 =	sshll.u32 s1, $0x1  }
0x6: {  	s10 =	simm.s32 $0x0;
	[smem:$0x7FF] =	sst s2;
	s6 =	sor.u32 s5, s6  }
0x7: {  	_ =	strace $0x80000047;
	s5 =	ssub.s32 $0x2, s5;
	s7 =	sshll.u32 s6, $0xA  }
0x8: {  	v0 =	vimm.s32 $0x0;
	v1 =	vimm.s32 $0x2;
	s31 =	sshrl.u32 s5, $0x1;
	s6 =	sshll.u32 s6, $0x7;
	s3 =	sadd.s32 s7, s3  }
0x9: {  	v2 =	vimm.s32 $0x4;
	v3 =	vimm.s32 $0x6;
	v4 =	vimm.s32 $0x8;
	s5 =	ssub.s32 s5, s31;
	s4 =	sadd.s32 s4, s6;
	s6 =	simm.s32 $0x1  }
0xa: {  	v5 =	vimm.s32 $0xA;
	v6 =	vimm.s32 $0xC;
	v7 =	vimm.s32 $0xE;
	s7 =	simm.s32 $0x400;
	s3 =	sadd.s32 $0xC00, s3;
	s5 =	smax.u32 s5, $0x1  }
.LBB2_1:
0xb: {  	[tilespmem:s2], [sflag:$0x1] =	stream.linear.gather [hbm4b:s3+s2], $0x2000, $0x38;
	[tilespmem:$0x6000] =	vst v63  }
0xc: {  	_ =	swait.ge [sflag:s6], $0x2000  }
0xd: {  	[sflag:s6] =	ssyncset.done $0x0  }
0xe: {  	s11 =	simm.s32 $0x0;
	s12 =	simm.s32 $0x0;
	[sflag:s6] =	ssyncadd.s32 $0xFFFFE000  }
.LBB2_2:
0xf: {  	s14 =	sshll.u32 s12, $0x7  }
0x10: {  	s13 =	sand.u32 $0x70, s11;
	s14 =	sand.u32 $0x3FFFFC00, s14  }
0x11: {  	s14 =	sor.u32 s13, s14  }
0x12: {  	v8 =	vld [tilespmem:s14+$0x0]  }
0x13: {  	v9 =	vld [tilespmem:s14+$0x80]  }
0x14: {  	v10 =	vld [tilespmem:s14+$0x100]  }
0x15: {  	v11 =	vld [tilespmem:s14+$0x180]  }
0x16: {  	v12 =	vld [tilespmem:s14+$0x200]  }
0x17: {  	v13 =	vld [tilespmem:s14+$0x280]  }
0x18: {  	v14 =	vld [tilespmem:s14+$0x300]  }
0x19: {  	v15 =	vld [tilespmem:s14+$0x380]  }
0x1a: {  	v16 =	vld [tilespmem:s14+$0x1000]  }
0x1b: {  	v17 =	vld [tilespmem:s14+$0x1080]  }
0x1c: {  	v18 =	vld [tilespmem:s14+$0x1100]  }
0x1d: {  	v19 =	vld [tilespmem:s14+$0x1180]  }
0x1e: {  	v20 =	vld [tilespmem:s14+$0x1200]  }
0x1f: {  	v21 =	vld [tilespmem:s14+$0x1280]  }
0x20: {  	v22 =	vld [tilespmem:s14+$0x1300]  }
0x21: {  	v25 =	vld [tilespmem:s14+$0x1380];
	_ =	sdelay $0x1  }
0x22: {  	v54 =	vimm.s32 $0x0;
	vm0 =	vgt.f32 v9, v8  }
0x23: {  	vm6 =	vgt.f32 v11, v10;
	vm7 =	vgt.f32 v13, v12;
	vm8 =	vgt.f32 v15, v14  }
0x24: {  	vm9 =	vgt.f32 v17, v16;
	vm10 =	vgt.f32 v19, v18;
	vm11 =	vgt.f32 v21, v20  }
0x25: {  	vm12 =	vgt.f32 v25, v22;
	v23 =	vsel vm0, v9, v8;
	v24 =	vsel vm0, $0x1, v0  }
0x26: {  	v26 =	vsel vm6, v11, v10;
	v27 =	vsel vm6, $0x3, v1;
	v28 =	vsel vm7, v13, v12  }
0x27: {  	v29 =	vsel vm7, $0x5, v2;
	v30 =	vsel vm8, v15, v14;
	v31 =	vsel vm8, $0x7, v3  }
0x28: {  	v32 =	vsel vm9, v17, v16;
	v33 =	vsel vm9, $0x9, v4;
	v34 =	vsel vm10, v19, v18  }
0x29: {  	v35 =	vsel vm10, $0xB, v5;
	v36 =	vsel vm11, v21, v20;
	v37 =	vsel vm11, $0xD, v6  }
0x2a: {  	v38 =	vsel vm12, v25, v22;
	v39 =	vsel vm12, $0xF, v7;
	vm13 =	vgt.f32 v26, v23  }
0x2b: {  	vm14 =	vgt.f32 v30, v28;
	vm1 =	vgt.f32 v34, v32;
	vm2 =	vgt.f32 v38, v36  }
0x2c: {  	v23 =	vsel vm13, v26, v23;
	v24 =	vsel vm13, v27, v24;
	v46 =	vsel vm14, v30, v28  }
0x2d: {  	v47 =	vsel vm14, v31, v29;
	v48 =	vsel vm1, v34, v32;
	v49 =	vsel vm2, v38, v36  }
0x2e: {  	v50 =	vsel vm1, v35, v33;
	vm15 =	vgt.f32 v46, v23;
	vm4 =	vgt.f32 v49, v48  }
0x2f: {  	v51 =	vsel vm2, v39, v37;
	v23 =	vsel vm15, v46, v23;
	v52 =	vsel vm4, v49, v48  }
0x30: {  	v24 =	vsel vm15, v47, v24;
	v53 =	vsel vm4, v51, v50;
	vm5 =	vgt.f32 v52, v23  }
0x31: {  	v55 =	vimm.s32 $0x0;
	v56 =	vimm.s32 $0x0;
	v23 =	vsel vm5, v53, v24  }
0x32: {  	vm15 =	veq.s32 v23, $0x0;
	vm14 =	veq.s32 v23, $0x1;
	vm13 =	veq.s32 v23, $0x2  }
0x33: {  	vm12 =	veq.s32 v23, $0x3;
	vm11 =	veq.s32 v23, $0x4;
	vm10 =	veq.s32 v23, $0x5  }
0x34: {  	vm9 =	veq.s32 v23, $0x6;
	vm8 =	veq.s32 v23, $0x7;
	vm7 =	veq.s32 v23, $0x8  }
0x35: {  	vm5 =	veq.s32 v23, $0x9;
	vm4 =	veq.s32 v23, $0xA;
	vm3 =	veq.s32 v23, $0xB  }
0x36: {  	vm0 =	veq.s32 v23, $0xC;
	vm6 =	veq.s32 v23, $0xD;
	v8 =	vsel vm15, $0xFF800000, v8  }
0x37: {  	v9 =	vsel vm14, $0xFF800000, v9;
	v10 =	vsel vm13, $0xFF800000, v10;
	v11 =	vsel vm12, $0xFF800000, v11  }
0x38: {  	v12 =	vsel vm11, $0xFF800000, v12;
	v13 =	vsel vm10, $0xFF800000, v13;
	v14 =	vsel vm9, $0xFF800000, v14  }
0x39: {  	v15 =	vsel vm8, $0xFF800000, v15;
	v16 =	vsel vm7, $0xFF800000, v16;
	v17 =	vsel vm5, $0xFF800000, v17  }
0x3a: {  	v18 =	vsel vm4, $0xFF800000, v18;
	v24 =	vsel vm0, $0xFFFFFFFF, v54;
	v19 =	vsel vm3, $0xFF800000, v19  }
0x3b: {  	v20 =	vsel vm0, $0xFF800000, v20;
	v21 =	vsel vm6, $0xFF800000, v21;
	vm0 =	veq.s32 v23, $0xE  }
0x3c: {  	v33 =	vsel vm15, $0x1, v0;
	v35 =	vsel vm14, $0x1, v0;
	v37 =	vsel vm13, $0x1, v0  }
0x3d: {  	v39 =	vsel vm12, $0x1, v0;
	v41 =	vsel vm11, $0x1, v0;
	v43 =	vsel vm10, $0x1, v0  }
0x3e: {  	v45 =	vsel vm9, $0x1, v0;
	v47 =	vsel vm8, $0x1, v0;
	v49 =	vsel vm7, $0x1, v0  }
0x3f: {  	v51 =	vsel vm5, $0x1, v0;
	v53 =	vsel vm4, $0x1, v0;
	[tilespmem:$0x1FFD0] =	vst v24;
	v24 =	vsel vm6, $0xFFFFFFFF, v55  }
0x40: {  	vm6 =	vgt.f32 v9, v8;
	vm2 =	vgt.f32 v11, v10;
	vm1 =	vgt.f32 v13, v12  }
0x41: {  	s31 =	sshll.u32 s12, $0x5;
	v22 =	vsel vm0, $0xFF800000, v22;
	v55 =	vsel vm3, $0x1, v0;
	[tilespmem:$0x1FFE0] =	vst v24;
	v24 =	vsel vm0, $0xFFFFFFFF, v56  }
0x42: {  	s14 =	sand.u32 $0x3FFFFF00, s31;
	v8 =	vsel vm6, v9, v8;
	v57 =	vsel vm6, $0x1, v0;
	v10 =	vsel vm2, v11, v10  }
0x43: {  	s13 =	sor.u32 s13, s14;
	v58 =	vsel vm2, $0x3, v1;
	v12 =	vsel vm1, v13, v12;
	v59 =	vsel vm1, $0x5, v2  }
0x44: {  	[tilespmem:s13+$0x2000] =	vst v33;
	vm2 =	vgt.f32 v15, v14;
	vm1 =	vgt.f32 v17, v16;
	vm6 =	veq.s32 v23, $0xF  }
0x45: {  	[tilespmem:s13+$0x2400] =	vst v35;
	vm0 =	vgt.f32 v21, v20;
	v14 =	vsel vm2, v15, v14;
	v60 =	vsel vm2, $0x7, v3  }
0x46: {  	[tilespmem:s13+$0x2800] =	vst v37;
	v16 =	vsel vm1, v17, v16;
	v61 =	vsel vm1, $0x9, v4;
	vm2 =	vgt.f32 v19, v18  }
0x47: {  	[tilespmem:s13+$0x2C00] =	vst v39;
	v23 =	vsel vm6, $0xFF800000, v25;
	v20 =	vsel vm0, v21, v20;
	v63 =	vsel vm0, $0xD, v6  }
0x48: {  	[tilespmem:s13+$0x3000] =	vst v41;
	v18 =	vsel vm2, v19, v18;
	v62 =	vsel vm2, $0xB, v5;
	vm0 =	vgt.f32 v23, v22  }
0x49: {  	[tilespmem:$0x1FFF0] =	vst v24;
	v22 =	vsel vm0, v23, v22;
	v24 =	vsel vm0, $0xF, v7;
	vm0 =	vgt.f32 v10, v8  }
0x4a: {  	[tilespmem:s13+$0x3400] =	vst v43;
	vm1 =	vgt.f32 v18, v16;
	v8 =	vsel vm0, v10, v8;
	v9 =	vsel vm0, v58, v57  }
0x4b: {  	[tilespmem:s13+$0x3800] =	vst v45;
	vm0 =	vgt.f32 v14, v12;
	vm2 =	vgt.f32 v22, v20;
	v27 =	vsel vm1, v18, v16;
	v57 =	vld [tilespmem:$0x1FFD0]  }
0x4c: {  	[tilespmem:s13+$0x3C00] =	vst v47;
	v29 =	vsel vm1, v62, v61;
	v25 =	vsel vm0, v14, v12;
	v28 =	vsel vm2, v22, v20  }
0x4d: {  	[tilespmem:s13+$0x4000] =	vst v49;
	v26 =	vsel vm0, v60, v59;
	vm0 =	vgt.f32 v25, v8;
	vm1 =	vgt.f32 v28, v27  }
0x4e: {  	[tilespmem:s13+$0x4400] =	vst v51;
	v30 =	vsel vm2, v24, v63;
	v8 =	vsel vm0, v25, v8;
	v31 =	vsel vm1, v28, v27  }
0x4f: {  	[tilespmem:s13+$0x4800] =	vst v53;
	v9 =	vsel vm0, v26, v9;
	v32 =	vsel vm1, v30, v29;
	vm0 =	vgt.f32 v31, v8  }
0x50: {  	[tilespmem:s13+$0x4C00] =	vst v55;
	v63 =	vsel vm6, $0x1, v0;
	v8 =	vsel vm0, v32, v9;
	vm9 =	vnez.u8 v57  }
0x51: {  	[tilespmem:s13+$0x5C00] =	vst v63;
	vm0 =	veq.s32 v8, $0x0;
	v9 =	vsel vm9, $0x1, v0  }
0x52: {  	vm15 =	veq.s32 v8, $0x1;
	v34 =	vsel vm0, $0x1, v0;
	[tilespmem:s13+$0x5000] =	vst v9  }
0x53: {  	vm14 =	veq.s32 v8, $0x2;
	v36 =	vsel vm15, $0x1, v0;
	[tilespmem:s13+$0x2080] =	vst v34  }
0x54: {  	vm11 =	veq.s32 v8, $0x4;
	v38 =	vsel vm14, $0x1, v0;
	[tilespmem:s13+$0x2480] =	vst v36  }
0x55: {  	vm12 =	veq.s32 v8, $0x5;
	v42 =	vsel vm11, $0x1, v0;
	[tilespmem:s13+$0x2880] =	vst v38  }
0x56: {  	vm13 =	veq.s32 v8, $0x6;
	v44 =	vsel vm12, $0x1, v0;
	[tilespmem:s13+$0x3080] =	vst v42  }
0x57: {  	vm5 =	veq.s32 v8, $0x9;
	v46 =	vsel vm13, $0x1, v0;
	[tilespmem:s13+$0x3480] =	vst v44  }
0x58: {  	v59 =	vld [tilespmem:$0x1FFE0];
	vm7 =	veq.s32 v8, $0xA;
	v52 =	vsel vm5, $0x1, v0;
	[tilespmem:s13+$0x3880] =	vst v46  }
0x59: {  	vm8 =	veq.s32 v8, $0xB;
	v54 =	vsel vm7, $0x1, v0;
	[tilespmem:s13+$0x4480] =	vst v52  }
0x5a: {  	vm10 =	veq.s32 v8, $0xC;
	v56 =	vsel vm8, $0x1, v0;
	[tilespmem:s13+$0x4880] =	vst v54  }
0x5b: {  	v61 =	vld [tilespmem:$0x1FFF0];
	vm15 =	veq.s32 v8, $0x3;
	v58 =	vsel vm10, $0x1, v0;
	[tilespmem:s13+$0x4C80] =	vst v56  }
0x5c: {  	vm14 =	veq.s32 v8, $0x7;
	v40 =	vsel vm15, $0x1, v0;
	[tilespmem:s13+$0x5080] =	vst v58  }
0x5d: {  	vm11 =	vnez.u8 v59;
	v48 =	vsel vm14, $0x1, v0;
	[tilespmem:s13+$0x2C80] =	vst v40  }
0x5e: {  	vm12 =	veq.s32 v8, $0xD;
	v9 =	vsel vm11, $0x1, v0;
	[tilespmem:s13+$0x3C80] =	vst v48  }
0x5f: {  	p0 =	sne.s32 s12, $0x1F;
	vm15 =	veq.s32 v8, $0x8;
	v60 =	vsel vm12, $0x1, v0;
	[tilespmem:s13+$0x5400] =	vst v9  }
.Ltmp0:
0x60: {  	vm13 =	vnez.u8 v61;
	v50 =	vsel vm15, $0x1, v0;
	[tilespmem:s13+$0x5480] =	vst v60;
	(pc) =	sbr.rel @p0 .LBB2_2-.Ltmp0, $4  }
0x61: {  	vm14 =	veq.s32 v8, $0xE;
	v9 =	vsel vm13, $0x1, v0;
	[tilespmem:s13+$0x4080] =	vst v50  }
0x62: {  	v62 =	vsel vm14, $0x1, v0;
	vm15 =	veq.s32 v8, $0xF;
	[tilespmem:s13+$0x5800] =	vst v9  }
0x63: {  	[tilespmem:s13+$0x5880] =	vst v62;
	v8 =	vsel vm15, $0x1, v0  }
0x64: {  	s11 =	sadd.s32 $0x10, s11;
	s12 =	sadd.s32 $0x1, s12;
	[tilespmem:s13+$0x5C80] =	vst v8  }
0x65: {  	s10 =	sadd.s32 $0x1, s10  }
0x66: {  	p0 =	sne.s32 s10, s5  }
.Ltmp1:
0x67: {  	_ = 	snop;
	(pc) =	sbr.rel @p0 .LBB2_1-.Ltmp1, $4  }
0x68: {  	[hbm4b:s4+s7] =	stream.strided.scatter [tilespmem:s9], [sflag:$0x1], $0x4000, s8, s7, $0x38;
	[tilespmem:$0x6000] =	vst v63  }
0x69: {  	_ =	swait.ge [sflag:s6], $0x4000  }
0x6a: {  	[sflag:s6] =	ssyncset.done $0x0  }
0x6b: {  	[sflag:s6] =	ssyncadd.s32 $0xFFFFC000  }
0x6c: {  	_ =	sfence.sel $0x180000  }
0x6d: {  	[bflag:$0x0] =	sbarrier.arrive $0xFFFF  }
0x6e: {  	p0 =	sne.s32 s1, $0x0;
	_ =	strace $0x90000047  }
0x6f: {  	s0 =	sadd.s32 @!p0 $0x100000, s0;
	[bflag:$0x2] =	sbarrier.arrive $0xFFFF  }
0x70: {  	[sflag:s0] =	ssyncadd.tile.s32 @!p0 $0x1;
	_ =	shalt  }
.Lfunc_end2:
_tile_overlayer_lowered:
.L_overlay_start_2:
0x71: {  	(tag) =	ssettag $0x2  }
0x72: {  	s0 =	rddreg [dreg:$0x0];
	s2 =	stileid.u32  }
0x73: {  	s1 =	rddreg [dreg:$0x1];
	p0 =	sne.s32 s2, $0x0  }
0x74: {  	s3 =	rddreg [dreg:$0x2];
	[bflag:$0x3] =	sbarrier.arrive $0xFFFF;
	s2 =	simm.s32 @!p0 $0x1C01  }
0x75: {  	[timem:s3], [sflag:s2] =	dma.local @!p0 [hbm:s0], s1  }
0x76: {  	s0 =	simm.s32 @!p0 $0x1  }
0x77: {  	_ =	swait.ge @!p0 [sflag:s0], s1  }
0x78: {  	s1 =	ssub.s32 @!p0 $0x0, s1;
	[sflag:s0] =	ssyncset.done @!p0 $0x0  }
0x79: {  	[sflag:s0] =	ssyncadd.s32 @!p0 s1  }
0x7a: {  	[bflag:$0x3] =	sbarrier.arrive $0xFFFF  }
0x7b: {  	_ =	shalt  }

</sc_bundles>
